<compile_context>
chip_gen: v7x
topology: tpu7x:2x2x1
jax: 0.10.2.dev20260603
libtpu: 0.0.44.dev20260713+nightly
codegen_flags: <defaults>
</compile_context>

<pallas_src>
import functools

import jax
import jax.numpy as jnp
from jax import lax
from jax.experimental import pallas as pl
from jax.experimental.pallas import tpu as pltpu
from jax.experimental.pallas import tpu_sc as plsc

N_CELLS = 100000
N_NETS = 100000
E_PINS = 1600000
E_PT = 1600000

NSC = 2
NSUB = 16
HALF = N_CELLS // NSC
ZR = 3128
ACC_R = NSUB * ZR
WR = 3128
WR_LAST = HALF - (NSUB - 1) * WR
G = 128
NG_PINS = E_PINS // G
NG_PT = E_PT // G
DUMP = HALF

_f32 = jnp.float32


def _ssp(x):
    return jnp.maximum(x, 0.0) + jnp.log(jnp.exp(-jnp.abs(x)) + 1.0) - 0.6931471805599453




def _he_body(pf, wpin, bpin, wpe1, bpe1, wpe2, bpe2, out):
    hp = jnp.tanh(jnp.dot(pf[...], wpin[...], preferred_element_type=_f32) + bpin[...])
    t = _ssp(jnp.dot(hp, wpe1[...], preferred_element_type=_f32) + bpe1[...])
    out[...] = _ssp(jnp.dot(t, wpe2[...], preferred_element_type=_f32) + bpe2[...])


def _he_call(pin_feat, W_pin, b_pin, W_pe1, b_pe1, W_pe2, b_pe2):
    B = 6400
    grid = (E_PINS // B,)
    full = lambda shp: pl.BlockSpec(shp, lambda i: (0, 0))
    return pl.pallas_call(
        _he_body,
        grid=grid,
        in_specs=[
            pl.BlockSpec((B, 8), lambda i: (i, 0)),
            full((8, 32)), full((1, 32)),
            full((32, 32)), full((1, 32)),
            full((32, 32)), full((1, 32)),
        ],
        out_specs=pl.BlockSpec((B, 32), lambda i: (i, 0)),
        out_shape=jax.ShapeDtypeStruct((E_PINS, 32), _f32),
    )(pin_feat, W_pin, b_pin, W_pe1, b_pe1, W_pe2, b_pe2)


def _hv_body(nf, wnet, bnet, wpn, bpn, out):
    hn = jnp.tanh(jnp.dot(nf[...], wnet[...], preferred_element_type=_f32) + bnet[...])
    out[...] = jnp.dot(hn, wpn[...], preferred_element_type=_f32) + bpn[...]


def _hv_call(net_feat, W_net, b_net, W_pn, b_pn):
    B = 4000
    full = lambda shp: pl.BlockSpec(shp, lambda i: (0, 0))
    return pl.pallas_call(
        _hv_body,
        grid=(N_NETS // B,),
        in_specs=[
            pl.BlockSpec((B, 16), lambda i: (i, 0)),
            full((16, 32)), full((1, 32)),
            full((32, 32)), full((1, 32)),
        ],
        out_specs=pl.BlockSpec((B, 32), lambda i: (i, 0)),
        out_shape=jax.ShapeDtypeStruct((N_NETS, 32), _f32),
    )(net_feat, W_net, b_net, W_pn, b_pn)




def _seg_body(hv, he, src, dst, zrows, out, acc, idxd, idxs, rows, hev, sem):
    c = lax.axis_index("c")
    s = lax.axis_index("s")
    base = c * HALF

    pltpu.sync_copy(zrows, acc.at[pl.ds(s * ZR, ZR)])
    plsc.subcore_barrier()

    ng = jnp.where(s < (NG_PINS - NSUB * (NG_PINS // NSUB)), NG_PINS // NSUB + 1,
                   NG_PINS // NSUB)

    def body(i, _):
        g = s + NSUB * i
        e0 = g * G
        pltpu.sync_copy(dst.at[pl.ds(e0, G)], idxd)
        cp = pltpu.async_copy(hv.at[idxd], rows, sem)
        pltpu.sync_copy(he.at[pl.ds(e0, G)], hev)
        pltpu.sync_copy(src.at[pl.ds(e0, G)], idxs)
        cp.wait()

        def mul_body(r, _):
            rows[r, pl.ds(0, 16)] = rows[r, pl.ds(0, 16)] * hev[r, pl.ds(0, 16)]
            rows[r, pl.ds(16, 16)] = rows[r, pl.ds(16, 16)] * hev[r, pl.ds(16, 16)]
            return _

        lax.fori_loop(0, G, mul_body, None)

        def idx_body(k, _):
            v = idxs[pl.ds(k * 16, 16)]
            inb = (v >= base) & (v < base + HALF)
            idxs[pl.ds(k * 16, 16)] = jnp.where(inb, v - base, DUMP)
            return _

        lax.fori_loop(0, G // 16, idx_body, None)
        pltpu.sync_copy(rows, acc.at[idxs], add=True)
        return _

    lax.fori_loop(0, ng, body, None)
    plsc.subcore_barrier()

    @pl.when(s < NSUB - 1)
    def _():
        pltpu.sync_copy(acc.at[pl.ds(s * WR, WR)], out.at[pl.ds(base + s * WR, WR)])

    @pl.when(s == NSUB - 1)
    def _():
        pltpu.sync_copy(acc.at[pl.ds(s * WR, WR_LAST)],
                        out.at[pl.ds(base + s * WR, WR_LAST)])


def _seg_call(hv, he, src, dst, zrows):
    mesh = plsc.VectorSubcoreMesh(core_axis_name="c", subcore_axis_name="s")
    f = functools.partial(
        pl.kernel,
        mesh=mesh,
        compiler_params=pltpu.CompilerParams(use_tc_tiling_on_sc=False, needs_layout_passes=False),
        out_type=jax.ShapeDtypeStruct((N_CELLS, 32), _f32),
        scratch_types=[
            pltpu.VMEM_SHARED((ACC_R, 32), _f32),
            pltpu.VMEM((G,), jnp.int32),
            pltpu.VMEM((G,), jnp.int32),
            pltpu.VMEM((G, 32), _f32),
            pltpu.VMEM((G, 32), _f32),
            pltpu.SemaphoreType.DMA,
        ],
    )(_seg_body)
    return f(hv, he, src, dst, zrows)




def _ro_body(hc, wpo, bpo, wsrc, wdst, bro, osrc, odst):
    ncell = _ssp(jnp.dot(hc[...], wpo[...], preferred_element_type=_f32) + bpo[...])
    osrc[...] = jnp.dot(ncell, wsrc[...], preferred_element_type=_f32) + bro[...]
    odst[...] = jnp.dot(ncell, wdst[...], preferred_element_type=_f32)


def _ro_mats(hcell, W_po, b_po, Wsrc, Wdst, bro):
    B = 4000
    full = lambda shp: pl.BlockSpec(shp, lambda i: (0, 0))
    return pl.pallas_call(
        _ro_body,
        grid=(N_CELLS // B,),
        in_specs=[
            pl.BlockSpec((B, 32), lambda i: (i, 0)),
            full((32, 32)), full((1, 32)),
            full((32, 16)), full((32, 16)), full((1, 16)),
        ],
        out_specs=[
            pl.BlockSpec((B, 16), lambda i: (i, 0)),
            pl.BlockSpec((B, 16), lambda i: (i, 0)),
        ],
        out_shape=[
            jax.ShapeDtypeStruct((N_CELLS, 16), _f32),
            jax.ShapeDtypeStruct((N_CELLS, 16), _f32),
        ],
    )(hcell, W_po, b_po, Wsrc, Wdst, bro)




def _tanh_sc(x):
    e = jnp.exp(jnp.minimum(2.0 * x, 30.0))
    big = (e - 1.0) / (e + 1.0)
    x2 = x * x
    small = x * (1.0 - x2 * (1.0 / 3.0) + x2 * x2 * (2.0 / 15.0))
    return jnp.where(jnp.abs(x) < 0.25, small, big)


def _edge_body(ssrc, sdst, pts, ptd, dis, ang, idxa, bufa, bufb, disv, angv, sem):
    c = lax.axis_index("c")
    s = lax.axis_index("s")
    w = s * NSC + c
    nw = NSC * NSUB
    ng = jnp.where(w < (NG_PT - nw * (NG_PT // nw)), NG_PT // nw + 1, NG_PT // nw)

    def body(i, _):
        g = w + nw * i
        e0 = g * G
        pltpu.sync_copy(pts.at[pl.ds(e0, G)], idxa)
        pltpu.async_copy(ssrc.at[idxa], bufa, sem).wait()
        pltpu.sync_copy(ptd.at[pl.ds(e0, G)], idxa)
        pltpu.async_copy(sdst.at[idxa], bufb, sem).wait()

        def cb(k, _):
            ridx = lax.iota(jnp.int32, 16) + k * 16
            c0 = jnp.zeros((16,), jnp.int32)
            c1 = jnp.ones((16,), jnp.int32)
            ud = plsc.load_gather(bufa, [ridx, c0]) + plsc.load_gather(bufb, [ridx, c0])
            ua = plsc.load_gather(bufa, [ridx, c1]) + plsc.load_gather(bufb, [ridx, c1])
            disv[pl.ds(k * 16, 16)] = jnp.exp(12.0 * _tanh_sc(ud))
            angv[pl.ds(k * 16, 16)] = 4.0 * _tanh_sc(ua)
            return _

        lax.fori_loop(0, G // 16, cb, None)
        pltpu.sync_copy(disv, dis.at[pl.ds(e0, G)])
        pltpu.sync_copy(angv, ang.at[pl.ds(e0, G)])
        return _

    lax.fori_loop(0, ng, body, None)


def _ro_edges(ssrc, sdst, pt_src, pt_dst):
    mesh = plsc.VectorSubcoreMesh(core_axis_name="c", subcore_axis_name="s")
    f = functools.partial(
        pl.kernel,
        mesh=mesh,
        compiler_params=pltpu.CompilerParams(use_tc_tiling_on_sc=False, needs_layout_passes=False),
        out_type=(
            jax.ShapeDtypeStruct((E_PT,), _f32),
            jax.ShapeDtypeStruct((E_PT,), _f32),
        ),
        scratch_types=[
            pltpu.VMEM((G,), jnp.int32),
            pltpu.VMEM((G, 16), _f32),
            pltpu.VMEM((G, 16), _f32),
            pltpu.VMEM((G,), _f32),
            pltpu.VMEM((G,), _f32),
            pltpu.SemaphoreType.DMA,
        ],
    )(_edge_body)
    return f(ssrc, sdst, pt_src, pt_dst)




def kernel(cell_feat, net_feat, pin_feat, pins_src, pins_dst, pt_src, pt_dst,
           W_cell, b_cell, W_net, b_net, W_pin, b_pin, W_gc, b_gc,
           W_pn, b_pn, W_pe1, b_pe1, W_pe2, b_pe2, W_po, b_po,
           W_dis, b_dis, W_ang, b_ang):
    he = _he_call(pin_feat, W_pin, b_pin.reshape(1, 32),
                  W_pe1, b_pe1.reshape(1, 32), W_pe2, b_pe2.reshape(1, 32))
    hv = _hv_call(net_feat, W_net, b_net.reshape(1, 32), W_pn, b_pn.reshape(1, 32))
    zrows = jnp.zeros((ZR, 32), _f32)
    hcell = _seg_call(hv, he, pins_src, pins_dst, zrows)

    pad = jnp.zeros((32, 14), _f32)
    Wsrc = jnp.concatenate([W_dis[:32], W_ang[:32], pad], axis=1)
    Wdst = jnp.concatenate([W_dis[32:], W_ang[32:], pad], axis=1)
    bro = jnp.concatenate([b_dis, b_ang, jnp.zeros((14,), _f32)]).reshape(1, 16)
    ssrc, sdst = _ro_mats(hcell, W_po, b_po.reshape(1, 32), Wsrc, Wdst, bro)

    dis, ang = _ro_edges(ssrc, sdst, pt_src, pt_dst)
    return dis, ang

# --- scband reference (transcript-rebuilt; emitter-appended) ---
"""Pipeline reference for scband-naive-gnn-69363721831097 (READ-ONLY COPY).

The authoritative reference and input builder live on the scoring server;
editing this copy changes nothing except your own understanding.
"""

import jax, jax.numpy as jnp
import numpy as np

N_CELLS = 100000
N_NETS = 100000
E_PINS = 1600000
E_PT = 1600000
RAW_CELL = 16
RAW_NET = 16
RAW_PIN = 8
H_CELL = 32
H_NET = 32
H_PIN = 32


def _ssp(x):
    # dgl ShiftedSoftplus: softplus(x) - log(2)
    return jnp.logaddexp(x, 0.0) - jnp.log(2.0)


def setup_inputs(seed: int = 0):
    key = jax.random.key(seed)
    ks = jax.random.split(key, 32)

    def w(k, shape):
        return jax.random.normal(k, shape, dtype=jnp.float32) * 0.05

    inp = {}
    inp["cell_feat"] = jax.random.normal(ks[0], (N_CELLS, RAW_CELL), dtype=jnp.float32)
    inp["net_feat"] = jax.random.normal(ks[1], (N_NETS, RAW_NET), dtype=jnp.float32)
    inp["pin_feat"] = jax.random.normal(ks[2], (E_PINS, RAW_PIN), dtype=jnp.float32)
    inp["pins_src"] = jax.random.randint(ks[3], (E_PINS,), 0, N_CELLS, dtype=jnp.int32)
    inp["pins_dst"] = jax.random.randint(ks[4], (E_PINS,), 0, N_NETS, dtype=jnp.int32)
    inp["pt_src"] = jax.random.randint(ks[5], (E_PT,), 0, N_CELLS, dtype=jnp.int32)
    inp["pt_dst"] = jax.random.randint(ks[6], (E_PT,), 0, N_CELLS, dtype=jnp.int32)
    # input projections
    inp["W_cell"] = w(ks[7], (RAW_CELL, H_CELL)); inp["b_cell"] = jnp.zeros((H_CELL,), jnp.float32)
    inp["W_net"] = w(ks[8], (RAW_NET, H_NET)); inp["b_net"] = jnp.zeros((H_NET,), jnp.float32)
    inp["W_pin"] = w(ks[9], (RAW_PIN, H_PIN)); inp["b_pin"] = jnp.zeros((H_PIN,), jnp.float32)
    # GraphConv (pins: cell -> net)
    inp["W_gc"] = w(ks[10], (H_CELL, H_NET)); inp["b_gc"] = jnp.zeros((H_NET,), jnp.float32)
    # CFConv (pinned: net -> cell), hidden = out = H_CELL
    inp["W_pn"] = w(ks[11], (H_NET, H_CELL)); inp["b_pn"] = jnp.zeros((H_CELL,), jnp.float32)
    inp["W_pe1"] = w(ks[12], (H_PIN, H_CELL)); inp["b_pe1"] = jnp.zeros((H_CELL,), jnp.float32)
    inp["W_pe2"] = w(ks[13], (H_CELL, H_CELL)); inp["b_pe2"] = jnp.zeros((H_CELL,), jnp.float32)
    inp["W_po"] = w(ks[14], (H_CELL, H_CELL)); inp["b_po"] = jnp.zeros((H_CELL,), jnp.float32)
    # readouts
    inp["W_dis"] = w(ks[15], (2 * H_CELL, 1)); inp["b_dis"] = jnp.zeros((1,), jnp.float32)
    inp["W_ang"] = w(ks[16], (2 * H_CELL, 1)); inp["b_ang"] = jnp.zeros((1,), jnp.float32)
    return inp


def reference(cell_feat, net_feat, pin_feat, pins_src, pins_dst, pt_src, pt_dst,
              W_cell, b_cell, W_net, b_net, W_pin, b_pin, W_gc, b_gc,
              W_pn, b_pn, W_pe1, b_pe1, W_pe2, b_pe2, W_po, b_po,
              W_dis, b_dis, W_ang, b_ang):
    hc = jnp.tanh(cell_feat @ W_cell + b_cell)
    hn = jnp.tanh(net_feat @ W_net + b_net)
    hp = jnp.tanh(pin_feat @ W_pin + b_pin)
    # GraphConv, norm='both', etype 'pins': cell(src) -> net(dst)
    out_deg = jnp.clip(jnp.bincount(pins_src, length=N_CELLS), 1, None).astype(jnp.float32)
    in_deg = jnp.clip(jnp.bincount(pins_dst, length=N_NETS), 1, None).astype(jnp.float32)
    src_h = hc * (out_deg ** -0.5)[:, None]
    agg = jax.ops.segment_sum(src_h[pins_src], pins_dst, num_segments=N_NETS)
    new_net = (agg * (in_deg ** -0.5)[:, None]) @ W_gc + b_gc
    # CFConv, etype 'pinned': net(src) -> cell(dst), reverse of pins, edge feats = hp
    hv = hn @ W_pn + b_pn
    he = _ssp(_ssp(hp @ W_pe1 + b_pe1) @ W_pe2 + b_pe2)
    hcell = jax.ops.segment_sum(hv[pins_dst] * he, pins_src, num_segments=N_CELLS)
    new_cell = _ssp(hcell @ W_po + b_po)
    # edge readouts over 'points-to' (cell -> cell) edges
    pair = jnp.concatenate([new_cell[pt_src], new_cell[pt_dst]], axis=-1)
    edge_dis = jnp.exp(12.0 * jnp.tanh(pair @ W_dis + b_dis)).reshape(-1)
    edge_angle = jnp.tanh(pair @ W_ang + b_ang).reshape(-1) * 4.0
    return (edge_dis, edge_angle)


if False:  # reference __main__ guard neutralized (emitter)
    out = reference(**setup_inputs())
    print(out[0].shape, out[1].shape)

if __name__ == "__main__":
    import jax
    _d = setup_inputs()
    print(jax.jit(kernel)(*tuple(_d.values())))

</pallas_src>

<mosaic_0001>
#map = affine_map<(d0, d1) -> (0, 0)>
#map1 = affine_map<(d0, d1) -> (0)>
module attributes {stable_mosaic.version = 14 : i64} {
  func.func @_seg_body(%arg0: i32, %arg1: i32, %arg2: memref<100000x32xf32, #tpu.memory_space<hbm>>, %arg3: memref<1600000x32xf32, #tpu.memory_space<hbm>>, %arg4: memref<1600000xi32, #tpu.memory_space<hbm>>, %arg5: memref<1600000xi32, #tpu.memory_space<hbm>>, %arg6: memref<3128x32xf32, #tpu.memory_space<hbm>>, %arg7: memref<100000x32xf32, #tpu.memory_space<hbm>>, %arg8: memref<50048x32xf32, #tpu.memory_space<vmem_shared>>, %arg9: memref<128xi32, #tpu.memory_space<vmem>>, %arg10: memref<128xi32, #tpu.memory_space<vmem>>, %arg11: memref<128x32xf32, #tpu.memory_space<vmem>>, %arg12: memref<128x32xf32, #tpu.memory_space<vmem>>, %arg13: memref<!tpu.dma_semaphore, #tpu.memory_space<semaphore_mem>>) attributes {dimension_semantics = [#tpu.dimension_semantics<core_parallel>, #tpu.dimension_semantics<subcore_parallel>], iteration_bounds = array<i64: 2, 16>, scalar_prefetch = 0 : i64, scratch_operands = 6 : i64, tpu.core_type = #tpu.core_type<sc_vector_subcore>, window_params = [{transform_indices = #map}, {transform_indices = #map}, {transform_indices = #map1}, {transform_indices = #map1}, {transform_indices = #map}, {transform_indices = #map}]} {
    %mul3A = arith.constant 50000 : i32
    %mul3A_0 = arith.muli %arg0, %mul3A : i32
    %mul3A_1 = arith.constant 3128 : i32
    %mul3A_2 = arith.muli %arg1, %mul3A_1 : i32
    "tpu.region"() ({
      %run_scoped3A = tpu.sem_alloc : memref<!tpu.dma_semaphore, #tpu.memory_space<semaphore_mem>>
      %dma_start3A = arith.constant 0 : i32
      %dma_start3A_21 = tpu.memref_slice %arg8[%mul3A_2, %dma_start3A] : memref<50048x32xf32, #tpu.memory_space<vmem_shared>> -> memref<3128x32xf32, #tpu.memory_space<vmem_shared>>
      tpu.enqueue_dma source(%arg6 : memref<3128x32xf32, #tpu.memory_space<hbm>>) target(%dma_start3A_21 : memref<3128x32xf32, #tpu.memory_space<vmem_shared>>) target_semaphore(%run_scoped3A : memref<!tpu.dma_semaphore, #tpu.memory_space<semaphore_mem>>)
      %dma_wait3A = arith.constant 0 : i32
      %dma_wait3A_22 = tpu.memref_slice %arg8[%mul3A_2, %dma_wait3A] : memref<50048x32xf32, #tpu.memory_space<vmem_shared>> -> memref<3128x32xf32, #tpu.memory_space<vmem_shared>>
      tpu.wait_dma2 semaphore(%run_scoped3A : memref<!tpu.dma_semaphore, #tpu.memory_space<semaphore_mem>>) src(%arg6 : memref<3128x32xf32, #tpu.memory_space<hbm>>) dst(%dma_wait3A_22 : memref<3128x32xf32, #tpu.memory_space<vmem_shared>>)
      tpu.yield
    }) : () -> ()
    %barrier3A = arith.constant 0 : index
    tpu.barrier barrier_id(%barrier3A)
    %lt3A = arith.constant 4 : i32
    %lt3A_3 = arith.cmpi slt, %arg1, %lt3A : i32
    %jit3A = arith.constant 782 : i32
    %jit3A_4 = arith.constant 781 : i32
    %select_n3A = arith.select %lt3A_3, %jit3A, %jit3A_4 : i32
    %while3A = arith.constant 0 : i32
    %while3A_5 = arith.subi %select_n3A, %while3A : i32
    %while3A_6 = arith.addi %while3A, %while3A_5 : i32
    %while3A_7 = arith.constant 1 : i32
    %while3A_8 = arith.divsi %while3A_5, %while3A_7 : i32
    %while3A_9 = arith.muli %while3A_8, %while3A_7 : i32
    %while3A_10 = arith.addi %while3A, %while3A_9 : i32
    %while3A_11 = arith.constant 1 : i32
    scf.for %while3A_21 = %while3A to %while3A_10 step %while3A_11  : i32 {
      %mul3A_22 = arith.constant 16 : i32
      %mul3A_23 = arith.muli %mul3A_22, %while3A_21 : i32
      %add3A = arith.addi %arg1, %mul3A_23 : i32
      %mul3A_24 = arith.constant 128 : i32
      %mul3A_25 = arith.muli %add3A, %mul3A_24 : i32
      "tpu.region"() ({
        %run_scoped3A = tpu.sem_alloc : memref<!tpu.dma_semaphore, #tpu.memory_space<semaphore_mem>>
        %dma_start3A_39 = tpu.memref_slice %arg5[%mul3A_25] : memref<1600000xi32, #tpu.memory_space<hbm>> -> memref<128xi32, #tpu.memory_space<hbm>>
        %dma_start3A_40 = tpu.memref_slice %arg5[%mul3A_25] : memref<1600000xi32, #tpu.memory_space<hbm>> -> memref<128xi32, #tpu.memory_space<hbm>>
        tpu.enqueue_dma source(%dma_start3A_40 : memref<128xi32, #tpu.memory_space<hbm>>) target(%arg9 : memref<128xi32, #tpu.memory_space<vmem>>) target_semaphore(%run_scoped3A : memref<!tpu.dma_semaphore, #tpu.memory_space<semaphore_mem>>)
        %dma_wait3A_41 = tpu.memref_slice %arg5[%mul3A_25] : memref<1600000xi32, #tpu.memory_space<hbm>> -> memref<128xi32, #tpu.memory_space<hbm>>
        %dma_wait3A_42 = tpu.memref_slice %arg5[%mul3A_25] : memref<1600000xi32, #tpu.memory_space<hbm>> -> memref<128xi32, #tpu.memory_space<hbm>>
        tpu.wait_dma2 semaphore(%run_scoped3A : memref<!tpu.dma_semaphore, #tpu.memory_space<semaphore_mem>>) src(%dma_wait3A_42 : memref<128xi32, #tpu.memory_space<hbm>>) dst(%arg9 : memref<128xi32, #tpu.memory_space<vmem>>)
        tpu.yield
      }) : () -> ()
      %dma_start3A = arith.constant 0 : i32
      %dma_start3A_26 = arith.constant 0 : i32
      %dma_start3A_27 = tpu.memref_slice %arg2[%dma_start3A, %dma_start3A_26] : memref<100000x32xf32, #tpu.memory_space<hbm>> -> memref<100000x32xf32, #tpu.memory_space<hbm>>
      tpu.enqueue_indirect_dma source(%dma_start3A_27 : memref<100000x32xf32, #tpu.memory_space<hbm>>) target(%arg11 : memref<128x32xf32, #tpu.memory_space<vmem>>) offsets(%arg9 : memref<128xi32, #tpu.memory_space<vmem>>) semaphore(%arg13 : memref<!tpu.dma_semaphore, #tpu.memory_space<semaphore_mem>>)
      "tpu.region"() ({
        %run_scoped3A = tpu.sem_alloc : memref<!tpu.dma_semaphore, #tpu.memory_space<semaphore_mem>>
        %dma_start3A_39 = arith.constant 0 : i32
        %dma_start3A_40 = tpu.memref_slice %arg3[%mul3A_25, %dma_start3A_39] : memref<1600000x32xf32, #tpu.memory_space<hbm>> -> memref<128x32xf32, #tpu.memory_space<hbm>>
        %dma_start3A_41 = arith.constant 0 : i32
        %dma_start3A_42 = tpu.memref_slice %arg3[%mul3A_25, %dma_start3A_41] : memref<1600000x32xf32, #tpu.memory_space<hbm>> -> memref<128x32xf32, #tpu.memory_space<hbm>>
        tpu.enqueue_dma source(%dma_start3A_42 : memref<128x32xf32, #tpu.memory_space<hbm>>) target(%arg12 : memref<128x32xf32, #tpu.memory_space<vmem>>) target_semaphore(%run_scoped3A : memref<!tpu.dma_semaphore, #tpu.memory_space<semaphore_mem>>)
        %dma_wait3A_43 = arith.constant 0 : i32
        %dma_wait3A_44 = tpu.memref_slice %arg3[%mul3A_25, %dma_wait3A_43] : memref<1600000x32xf32, #tpu.memory_space<hbm>> -> memref<128x32xf32, #tpu.memory_space<hbm>>
        %dma_wait3A_45 = arith.constant 0 : i32
        %dma_wait3A_46 = tpu.memref_slice %arg3[%mul3A_25, %dma_wait3A_45] : memref<1600000x32xf32, #tpu.memory_space<hbm>> -> memref<128x32xf32, #tpu.memory_space<hbm>>
        tpu.wait_dma2 semaphore(%run_scoped3A : memref<!tpu.dma_semaphore, #tpu.memory_space<semaphore_mem>>) src(%dma_wait3A_46 : memref<128x32xf32, #tpu.memory_space<hbm>>) dst(%arg12 : memref<128x32xf32, #tpu.memory_space<vmem>>)
        tpu.yield
      }) : () -> ()
      "tpu.region"() ({
        %run_scoped3A = tpu.sem_alloc : memref<!tpu.dma_semaphore, #tpu.memory_space<semaphore_mem>>
        %dma_start3A_39 = tpu.memref_slice %arg4[%mul3A_25] : memref<1600000xi32, #tpu.memory_space<hbm>> -> memref<128xi32, #tpu.memory_space<hbm>>
        %dma_start3A_40 = tpu.memref_slice %arg4[%mul3A_25] : memref<1600000xi32, #tpu.memory_space<hbm>> -> memref<128xi32, #tpu.memory_space<hbm>>
        tpu.enqueue_dma source(%dma_start3A_40 : memref<128xi32, #tpu.memory_space<hbm>>) target(%arg10 : memref<128xi32, #tpu.memory_space<vmem>>) target_semaphore(%run_scoped3A : memref<!tpu.dma_semaphore, #tpu.memory_space<semaphore_mem>>)
        %dma_wait3A_41 = tpu.memref_slice %arg4[%mul3A_25] : memref<1600000xi32, #tpu.memory_space<hbm>> -> memref<128xi32, #tpu.memory_space<hbm>>
        %dma_wait3A_42 = tpu.memref_slice %arg4[%mul3A_25] : memref<1600000xi32, #tpu.memory_space<hbm>> -> memref<128xi32, #tpu.memory_space<hbm>>
        tpu.wait_dma2 semaphore(%run_scoped3A : memref<!tpu.dma_semaphore, #tpu.memory_space<semaphore_mem>>) src(%dma_wait3A_42 : memref<128xi32, #tpu.memory_space<hbm>>) dst(%arg10 : memref<128xi32, #tpu.memory_space<vmem>>)
        tpu.yield
      }) : () -> ()
      %dma_wait3A = arith.constant 0 : i32
      %dma_wait3A_28 = arith.constant 0 : i32
      %dma_wait3A_29 = tpu.memref_slice %arg2[%dma_wait3A, %dma_wait3A_28] : memref<100000x32xf32, #tpu.memory_space<hbm>> -> memref<100000x32xf32, #tpu.memory_space<hbm>>
      tpu.wait_indirect_dma semaphore(%arg13 : memref<!tpu.dma_semaphore, #tpu.memory_space<semaphore_mem>>) src(%dma_wait3A_29 : memref<100000x32xf32, #tpu.memory_space<hbm>>) dst(%arg11 : memref<128x32xf32, #tpu.memory_space<vmem>>)
      %scan3A = arith.constant 0 : i32
      %scan3A_30 = arith.constant 128 : i32
      %scan3A_31 = arith.addi %scan3A, %scan3A_30 : i32
      %scan3A_32 = arith.constant 1 : i32
      scf.for %scan3A_39 = %scan3A to %scan3A_31 step %scan3A_32  : i32 {
        %get3A = arith.index_cast %scan3A_39 : i32 to index
        %get3A_40 = arith.constant 0 : index
        %get3A_41 = tpu.vector_load %arg11[%get3A, %get3A_40] {strides = array<i32>} : memref<128x32xf32, #tpu.memory_space<vmem>>, vector<16xf32>,
        %get3A_42 = arith.index_cast %scan3A_39 : i32 to index
        %get3A_43 = arith.constant 0 : index
        %get3A_44 = tpu.vector_load %arg12[%get3A_42, %get3A_43] {strides = array<i32>} : memref<128x32xf32, #tpu.memory_space<vmem>>, vector<16xf32>,
        %mul3A_45 = arith.mulf %get3A_41, %get3A_44 : vector<16xf32>
        %swap3A = arith.index_cast %scan3A_39 : i32 to index
        %swap3A_46 = arith.constant 0 : index
        %swap3A_47 = tpu.vector_load %arg11[%swap3A, %swap3A_46] {strides = array<i32>} : memref<128x32xf32, #tpu.memory_space<vmem>>, vector<16xf32>,
        tpu.vector_store %arg11[%swap3A, %swap3A_46], %mul3A_45 {strides = array<i32>} : memref<128x32xf32, #tpu.memory_space<vmem>>, vector<16xf32>,
        %get3A_48 = arith.index_cast %scan3A_39 : i32 to index
        %get3A_49 = arith.constant 16 : index
        %get3A_50 = tpu.vector_load %arg11[%get3A_48, %get3A_49] {strides = array<i32>} : memref<128x32xf32, #tpu.memory_space<vmem>>, vector<16xf32>,
        %get3A_51 = arith.index_cast %scan3A_39 : i32 to index
        %get3A_52 = arith.constant 16 : index
        %get3A_53 = tpu.vector_load %arg12[%get3A_51, %get3A_52] {strides = array<i32>} : memref<128x32xf32, #tpu.memory_space<vmem>>, vector<16xf32>,
        %mul3A_54 = arith.mulf %get3A_50, %get3A_53 : vector<16xf32>
        %swap3A_55 = arith.index_cast %scan3A_39 : i32 to index
        %swap3A_56 = arith.constant 16 : index
        %swap3A_57 = tpu.vector_load %arg11[%swap3A_55, %swap3A_56] {strides = array<i32>} : memref<128x32xf32, #tpu.memory_space<vmem>>, vector<16xf32>,
        tpu.vector_store %arg11[%swap3A_55, %swap3A_56], %mul3A_54 {strides = array<i32>} : memref<128x32xf32, #tpu.memory_space<vmem>>, vector<16xf32>,
      }
      %scan3A_33 = arith.constant 128 : i32
      %scan3A_34 = arith.constant 0 : i32
      %scan3A_35 = arith.constant 8 : i32
      %scan3A_36 = arith.addi %scan3A_34, %scan3A_35 : i32
      %scan3A_37 = arith.constant 1 : i32
      scf.for %scan3A_39 = %scan3A_34 to %scan3A_36 step %scan3A_37  : i32 {
        %mul3A_40 = arith.constant 16 : i32
        %mul3A_41 = arith.muli %scan3A_39, %mul3A_40 : i32
        %get3A = arith.index_cast %mul3A_41 : i32 to index
        %get3A_42 = tpu.vector_load %arg10[%get3A] {strides = array<i32>} : memref<128xi32, #tpu.memory_space<vmem>>, vector<16xi32>,
        %ge3A = vector.broadcast %mul3A_0 : i32 to vector<16xi32>
        %ge3A_43 = arith.cmpi sge, %get3A_42, %ge3A : vector<16xi32>
        %add3A_44 = arith.constant 50000 : i32
        %add3A_45 = arith.addi %mul3A_0, %add3A_44 : i32
        %lt3A_46 = vector.broadcast %add3A_45 : i32 to vector<16xi32>
        %lt3A_47 = arith.cmpi slt, %get3A_42, %lt3A_46 : vector<16xi32>
        %and3A = arith.andi %ge3A_43, %lt3A_47 : vector<16xi1>
        %sub3A = vector.broadcast %mul3A_0 : i32 to vector<16xi32>
        %sub3A_48 = arith.subi %get3A_42, %sub3A : vector<16xi32>
        %jit3A_49 = arith.constant 50000 : i32
        %broadcast_in_dim3A = vector.broadcast %jit3A_49 : i32 to vector<16xi32>
        %select_n3A_50 = arith.select %and3A, %sub3A_48, %broadcast_in_dim3A : vector<16xi1>, vector<16xi32>
        %mul3A_51 = arith.constant 16 : i32
        %mul3A_52 = arith.muli %scan3A_39, %mul3A_51 : i32
        %swap3A = arith.index_cast %mul3A_52 : i32 to index
        %swap3A_53 = tpu.vector_load %arg10[%swap3A] {strides = array<i32>} : memref<128xi32, #tpu.memory_space<vmem>>, vector<16xi32>,
        tpu.vector_store %arg10[%swap3A], %select_n3A_50 {strides = array<i32>} : memref<128xi32, #tpu.memory_space<vmem>>, vector<16xi32>,
      }
      %scan3A_38 = arith.constant 8 : i32
      "tpu.region"() ({
        %run_scoped3A = tpu.sem_alloc : memref<!tpu.dma_semaphore, #tpu.memory_space<semaphore_mem>>
        %dma_start3A_39 = arith.constant 0 : i32
        %dma_start3A_40 = arith.constant 0 : i32
        %dma_start3A_41 = tpu.memref_slice %arg8[%dma_start3A_39, %dma_start3A_40] : memref<50048x32xf32, #tpu.memory_space<vmem_shared>> -> memref<50048x32xf32, #tpu.memory_space<vmem_shared>>
        tpu.enqueue_indirect_dma source(%arg11 : memref<128x32xf32, #tpu.memory_space<vmem>>) target(%dma_start3A_41 : memref<50048x32xf32, #tpu.memory_space<vmem_shared>>) offsets(%arg10 : memref<128xi32, #tpu.memory_space<vmem>>) semaphore(%run_scoped3A : memref<!tpu.dma_semaphore, #tpu.memory_space<semaphore_mem>>) {add = true}
        %dma_wait3A_42 = arith.constant 0 : i32
        %dma_wait3A_43 = arith.constant 0 : i32
        %dma_wait3A_44 = tpu.memref_slice %arg8[%dma_wait3A_42, %dma_wait3A_43] : memref<50048x32xf32, #tpu.memory_space<vmem_shared>> -> memref<50048x32xf32, #tpu.memory_space<vmem_shared>>
        tpu.wait_indirect_dma semaphore(%run_scoped3A : memref<!tpu.dma_semaphore, #tpu.memory_space<semaphore_mem>>) src(%arg11 : memref<128x32xf32, #tpu.memory_space<vmem>>) dst(%dma_wait3A_44 : memref<50048x32xf32, #tpu.memory_space<vmem_shared>>)
        tpu.yield
      }) : () -> ()
    }
    %while3A_12 = arith.constant 1 : i32
    scf.for %while3A_21 = %while3A_10 to %while3A_6 step %while3A_12  : i32 {
      %mul3A_22 = arith.constant 16 : i32
      %mul3A_23 = arith.muli %mul3A_22, %while3A_21 : i32
      %add3A = arith.addi %arg1, %mul3A_23 : i32
      %mul3A_24 = arith.constant 128 : i32
      %mul3A_25 = arith.muli %add3A, %mul3A_24 : i32
      "tpu.region"() ({
        %run_scoped3A = tpu.sem_alloc : memref<!tpu.dma_semaphore, #tpu.memory_space<semaphore_mem>>
        %dma_start3A_39 = tpu.memref_slice %arg5[%mul3A_25] : memref<1600000xi32, #tpu.memory_space<hbm>> -> memref<128xi32, #tpu.memory_space<hbm>>
        %dma_start3A_40 = tpu.memref_slice %arg5[%mul3A_25] : memref<1600000xi32, #tpu.memory_space<hbm>> -> memref<128xi32, #tpu.memory_space<hbm>>
        tpu.enqueue_dma source(%dma_start3A_40 : memref<128xi32, #tpu.memory_space<hbm>>) target(%arg9 : memref<128xi32, #tpu.memory_space<vmem>>) target_semaphore(%run_scoped3A : memref<!tpu.dma_semaphore, #tpu.memory_space<semaphore_mem>>)
        %dma_wait3A_41 = tpu.memref_slice %arg5[%mul3A_25] : memref<1600000xi32, #tpu.memory_space<hbm>> -> memref<128xi32, #tpu.memory_space<hbm>>
        %dma_wait3A_42 = tpu.memref_slice %arg5[%mul3A_25] : memref<1600000xi32, #tpu.memory_space<hbm>> -> memref<128xi32, #tpu.memory_space<hbm>>
        tpu.wait_dma2 semaphore(%run_scoped3A : memref<!tpu.dma_semaphore, #tpu.memory_space<semaphore_mem>>) src(%dma_wait3A_42 : memref<128xi32, #tpu.memory_space<hbm>>) dst(%arg9 : memref<128xi32, #tpu.memory_space<vmem>>)
        tpu.yield
      }) : () -> ()
      %dma_start3A = arith.constant 0 : i32
      %dma_start3A_26 = arith.constant 0 : i32
      %dma_start3A_27 = tpu.memref_slice %arg2[%dma_start3A, %dma_start3A_26] : memref<100000x32xf32, #tpu.memory_space<hbm>> -> memref<100000x32xf32, #tpu.memory_space<hbm>>
      tpu.enqueue_indirect_dma source(%dma_start3A_27 : memref<100000x32xf32, #tpu.memory_space<hbm>>) target(%arg11 : memref<128x32xf32, #tpu.memory_space<vmem>>) offsets(%arg9 : memref<128xi32, #tpu.memory_space<vmem>>) semaphore(%arg13 : memref<!tpu.dma_semaphore, #tpu.memory_space<semaphore_mem>>)
      "tpu.region"() ({
        %run_scoped3A = tpu.sem_alloc : memref<!tpu.dma_semaphore, #tpu.memory_space<semaphore_mem>>
        %dma_start3A_39 = arith.constant 0 : i32
        %dma_start3A_40 = tpu.memref_slice %arg3[%mul3A_25, %dma_start3A_39] : memref<1600000x32xf32, #tpu.memory_space<hbm>> -> memref<128x32xf32, #tpu.memory_space<hbm>>
        %dma_start3A_41 = arith.constant 0 : i32
        %dma_start3A_42 = tpu.memref_slice %arg3[%mul3A_25, %dma_start3A_41] : memref<1600000x32xf32, #tpu.memory_space<hbm>> -> memref<128x32xf32, #tpu.memory_space<hbm>>
        tpu.enqueue_dma source(%dma_start3A_42 : memref<128x32xf32, #tpu.memory_space<hbm>>) target(%arg12 : memref<128x32xf32, #tpu.memory_space<vmem>>) target_semaphore(%run_scoped3A : memref<!tpu.dma_semaphore, #tpu.memory_space<semaphore_mem>>)
        %dma_wait3A_43 = arith.constant 0 : i32
        %dma_wait3A_44 = tpu.memref_slice %arg3[%mul3A_25, %dma_wait3A_43] : memref<1600000x32xf32, #tpu.memory_space<hbm>> -> memref<128x32xf32, #tpu.memory_space<hbm>>
        %dma_wait3A_45 = arith.constant 0 : i32
        %dma_wait3A_46 = tpu.memref_slice %arg3[%mul3A_25, %dma_wait3A_45] : memref<1600000x32xf32, #tpu.memory_space<hbm>> -> memref<128x32xf32, #tpu.memory_space<hbm>>
        tpu.wait_dma2 semaphore(%run_scoped3A : memref<!tpu.dma_semaphore, #tpu.memory_space<semaphore_mem>>) src(%dma_wait3A_46 : memref<128x32xf32, #tpu.memory_space<hbm>>) dst(%arg12 : memref<128x32xf32, #tpu.memory_space<vmem>>)
        tpu.yield
      }) : () -> ()
      "tpu.region"() ({
        %run_scoped3A = tpu.sem_alloc : memref<!tpu.dma_semaphore, #tpu.memory_space<semaphore_mem>>
        %dma_start3A_39 = tpu.memref_slice %arg4[%mul3A_25] : memref<1600000xi32, #tpu.memory_space<hbm>> -> memref<128xi32, #tpu.memory_space<hbm>>
        %dma_start3A_40 = tpu.memref_slice %arg4[%mul3A_25] : memref<1600000xi32, #tpu.memory_space<hbm>> -> memref<128xi32, #tpu.memory_space<hbm>>
        tpu.enqueue_dma source(%dma_start3A_40 : memref<128xi32, #tpu.memory_space<hbm>>) target(%arg10 : memref<128xi32, #tpu.memory_space<vmem>>) target_semaphore(%run_scoped3A : memref<!tpu.dma_semaphore, #tpu.memory_space<semaphore_mem>>)
        %dma_wait3A_41 = tpu.memref_slice %arg4[%mul3A_25] : memref<1600000xi32, #tpu.memory_space<hbm>> -> memref<128xi32, #tpu.memory_space<hbm>>
        %dma_wait3A_42 = tpu.memref_slice %arg4[%mul3A_25] : memref<1600000xi32, #tpu.memory_space<hbm>> -> memref<128xi32, #tpu.memory_space<hbm>>
        tpu.wait_dma2 semaphore(%run_scoped3A : memref<!tpu.dma_semaphore, #tpu.memory_space<semaphore_mem>>) src(%dma_wait3A_42 : memref<128xi32, #tpu.memory_space<hbm>>) dst(%arg10 : memref<128xi32, #tpu.memory_space<vmem>>)
        tpu.yield
      }) : () -> ()
      %dma_wait3A = arith.constant 0 : i32
      %dma_wait3A_28 = arith.constant 0 : i32
      %dma_wait3A_29 = tpu.memref_slice %arg2[%dma_wait3A, %dma_wait3A_28] : memref<100000x32xf32, #tpu.memory_space<hbm>> -> memref<100000x32xf32, #tpu.memory_space<hbm>>
      tpu.wait_indirect_dma semaphore(%arg13 : memref<!tpu.dma_semaphore, #tpu.memory_space<semaphore_mem>>) src(%dma_wait3A_29 : memref<100000x32xf32, #tpu.memory_space<hbm>>) dst(%arg11 : memref<128x32xf32, #tpu.memory_space<vmem>>)
      %scan3A = arith.constant 0 : i32
      %scan3A_30 = arith.constant 128 : i32
      %scan3A_31 = arith.addi %scan3A, %scan3A_30 : i32
      %scan3A_32 = arith.constant 1 : i32
      scf.for %scan3A_39 = %scan3A to %scan3A_31 step %scan3A_32  : i32 {
        %get3A = arith.index_cast %scan3A_39 : i32 to index
        %get3A_40 = arith.constant 0 : index
        %get3A_41 = tpu.vector_load %arg11[%get3A, %get3A_40] {strides = array<i32>} : memref<128x32xf32, #tpu.memory_space<vmem>>, vector<16xf32>,
        %get3A_42 = arith.index_cast %scan3A_39 : i32 to index
        %get3A_43 = arith.constant 0 : index
        %get3A_44 = tpu.vector_load %arg12[%get3A_42, %get3A_43] {strides = array<i32>} : memref<128x32xf32, #tpu.memory_space<vmem>>, vector<16xf32>,
        %mul3A_45 = arith.mulf %get3A_41, %get3A_44 : vector<16xf32>
        %swap3A = arith.index_cast %scan3A_39 : i32 to index
        %swap3A_46 = arith.constant 0 : index
        %swap3A_47 = tpu.vector_load %arg11[%swap3A, %swap3A_46] {strides = array<i32>} : memref<128x32xf32, #tpu.memory_space<vmem>>, vector<16xf32>,
        tpu.vector_store %arg11[%swap3A, %swap3A_46], %mul3A_45 {strides = array<i32>} : memref<128x32xf32, #tpu.memory_space<vmem>>, vector<16xf32>,
        %get3A_48 = arith.index_cast %scan3A_39 : i32 to index
        %get3A_49 = arith.constant 16 : index
        %get3A_50 = tpu.vector_load %arg11[%get3A_48, %get3A_49] {strides = array<i32>} : memref<128x32xf32, #tpu.memory_space<vmem>>, vector<16xf32>,
        %get3A_51 = arith.index_cast %scan3A_39 : i32 to index
        %get3A_52 = arith.constant 16 : index
        %get3A_53 = tpu.vector_load %arg12[%get3A_51, %get3A_52] {strides = array<i32>} : memref<128x32xf32, #tpu.memory_space<vmem>>, vector<16xf32>,
        %mul3A_54 = arith.mulf %get3A_50, %get3A_53 : vector<16xf32>
        %swap3A_55 = arith.index_cast %scan3A_39 : i32 to index
        %swap3A_56 = arith.constant 16 : index
        %swap3A_57 = tpu.vector_load %arg11[%swap3A_55, %swap3A_56] {strides = array<i32>} : memref<128x32xf32, #tpu.memory_space<vmem>>, vector<16xf32>,
        tpu.vector_store %arg11[%swap3A_55, %swap3A_56], %mul3A_54 {strides = array<i32>} : memref<128x32xf32, #tpu.memory_space<vmem>>, vector<16xf32>,
      }
      %scan3A_33 = arith.constant 128 : i32
      %scan3A_34 = arith.constant 0 : i32
      %scan3A_35 = arith.constant 8 : i32
      %scan3A_36 = arith.addi %scan3A_34, %scan3A_35 : i32
      %scan3A_37 = arith.constant 1 : i32
      scf.for %scan3A_39 = %scan3A_34 to %scan3A_36 step %scan3A_37  : i32 {
        %mul3A_40 = arith.constant 16 : i32
        %mul3A_41 = arith.muli %scan3A_39, %mul3A_40 : i32
        %get3A = arith.index_cast %mul3A_41 : i32 to index
        %get3A_42 = tpu.vector_load %arg10[%get3A] {strides = array<i32>} : memref<128xi32, #tpu.memory_space<vmem>>, vector<16xi32>,
        %ge3A = vector.broadcast %mul3A_0 : i32 to vector<16xi32>
        %ge3A_43 = arith.cmpi sge, %get3A_42, %ge3A : vector<16xi32>
        %add3A_44 = arith.constant 50000 : i32
        %add3A_45 = arith.addi %mul3A_0, %add3A_44 : i32
        %lt3A_46 = vector.broadcast %add3A_45 : i32 to vector<16xi32>
        %lt3A_47 = arith.cmpi slt, %get3A_42, %lt3A_46 : vector<16xi32>
        %and3A = arith.andi %ge3A_43, %lt3A_47 : vector<16xi1>
        %sub3A = vector.broadcast %mul3A_0 : i32 to vector<16xi32>
        %sub3A_48 = arith.subi %get3A_42, %sub3A : vector<16xi32>
        %jit3A_49 = arith.constant 50000 : i32
        %broadcast_in_dim3A = vector.broadcast %jit3A_49 : i32 to vector<16xi32>
        %select_n3A_50 = arith.select %and3A, %sub3A_48, %broadcast_in_dim3A : vector<16xi1>, vector<16xi32>
        %mul3A_51 = arith.constant 16 : i32
        %mul3A_52 = arith.muli %scan3A_39, %mul3A_51 : i32
        %swap3A = arith.index_cast %mul3A_52 : i32 to index
        %swap3A_53 = tpu.vector_load %arg10[%swap3A] {strides = array<i32>} : memref<128xi32, #tpu.memory_space<vmem>>, vector<16xi32>,
        tpu.vector_store %arg10[%swap3A], %select_n3A_50 {strides = array<i32>} : memref<128xi32, #tpu.memory_space<vmem>>, vector<16xi32>,
      }
      %scan3A_38 = arith.constant 8 : i32
      "tpu.region"() ({
        %run_scoped3A = tpu.sem_alloc : memref<!tpu.dma_semaphore, #tpu.memory_space<semaphore_mem>>
        %dma_start3A_39 = arith.constant 0 : i32
        %dma_start3A_40 = arith.constant 0 : i32
        %dma_start3A_41 = tpu.memref_slice %arg8[%dma_start3A_39, %dma_start3A_40] : memref<50048x32xf32, #tpu.memory_space<vmem_shared>> -> memref<50048x32xf32, #tpu.memory_space<vmem_shared>>
        tpu.enqueue_indirect_dma source(%arg11 : memref<128x32xf32, #tpu.memory_space<vmem>>) target(%dma_start3A_41 : memref<50048x32xf32, #tpu.memory_space<vmem_shared>>) offsets(%arg10 : memref<128xi32, #tpu.memory_space<vmem>>) semaphore(%run_scoped3A : memref<!tpu.dma_semaphore, #tpu.memory_space<semaphore_mem>>) {add = true}
        %dma_wait3A_42 = arith.constant 0 : i32
        %dma_wait3A_43 = arith.constant 0 : i32
        %dma_wait3A_44 = tpu.memref_slice %arg8[%dma_wait3A_42, %dma_wait3A_43] : memref<50048x32xf32, #tpu.memory_space<vmem_shared>> -> memref<50048x32xf32, #tpu.memory_space<vmem_shared>>
        tpu.wait_indirect_dma semaphore(%run_scoped3A : memref<!tpu.dma_semaphore, #tpu.memory_space<semaphore_mem>>) src(%arg11 : memref<128x32xf32, #tpu.memory_space<vmem>>) dst(%dma_wait3A_44 : memref<50048x32xf32, #tpu.memory_space<vmem_shared>>)
        tpu.yield
      }) : () -> ()
    }
    %barrier3A_13 = arith.constant 0 : index
    tpu.barrier barrier_id(%barrier3A_13)
    %lt3A_14 = arith.constant 15 : i32
    %lt3A_15 = arith.cmpi slt, %arg1, %lt3A_14 : i32
    %convert_element_type3A = arith.extui %lt3A_15 : i1 to i32
    %cond3A = arith.constant 0 : i32
    %cond3A_16 = arith.cmpi ne, %convert_element_type3A, %cond3A : i32
    scf.if %cond3A_16 {
      %mul3A_21 = arith.constant 3128 : i32
      %mul3A_22 = arith.muli %arg1, %mul3A_21 : i32
      %mul3A_23 = arith.constant 3128 : i32
      %mul3A_24 = arith.muli %arg1, %mul3A_23 : i32
      %add3A = arith.addi %mul3A_0, %mul3A_24 : i32
      "tpu.region"() ({
        %run_scoped3A = tpu.sem_alloc : memref<!tpu.dma_semaphore, #tpu.memory_space<semaphore_mem>>
        %dma_start3A = arith.constant 0 : i32
        %dma_start3A_25 = tpu.memref_slice %arg7[%add3A, %dma_start3A] : memref<100000x32xf32, #tpu.memory_space<hbm>> -> memref<3128x32xf32, #tpu.memory_space<hbm>>
        %dma_start3A_26 = arith.constant 0 : i32
        %dma_start3A_27 = tpu.memref_slice %arg8[%mul3A_22, %dma_start3A_26] : memref<50048x32xf32, #tpu.memory_space<vmem_shared>> -> memref<3128x32xf32, #tpu.memory_space<vmem_shared>>
        tpu.enqueue_dma source(%dma_start3A_27 : memref<3128x32xf32, #tpu.memory_space<vmem_shared>>) target(%dma_start3A_25 : memref<3128x32xf32, #tpu.memory_space<hbm>>) target_semaphore(%run_scoped3A : memref<!tpu.dma_semaphore, #tpu.memory_space<semaphore_mem>>)
        %dma_wait3A = arith.constant 0 : i32
        %dma_wait3A_28 = tpu.memref_slice %arg7[%add3A, %dma_wait3A] : memref<100000x32xf32, #tpu.memory_space<hbm>> -> memref<3128x32xf32, #tpu.memory_space<hbm>>
        %dma_wait3A_29 = arith.constant 0 : i32
        %dma_wait3A_30 = tpu.memref_slice %arg8[%mul3A_22, %dma_wait3A_29] : memref<50048x32xf32, #tpu.memory_space<vmem_shared>> -> memref<3128x32xf32, #tpu.memory_space<vmem_shared>>
        tpu.wait_dma2 semaphore(%run_scoped3A : memref<!tpu.dma_semaphore, #tpu.memory_space<semaphore_mem>>) src(%dma_wait3A_30 : memref<3128x32xf32, #tpu.memory_space<vmem_shared>>) dst(%dma_wait3A_28 : memref<3128x32xf32, #tpu.memory_space<hbm>>)
        tpu.yield
      }) : () -> ()
    } else {
    }
    %eq3A = arith.constant 15 : i32
    %eq3A_17 = arith.cmpi eq, %arg1, %eq3A : i32
    %convert_element_type3A_18 = arith.extui %eq3A_17 : i1 to i32
    %cond3A_19 = arith.constant 0 : i32
    %cond3A_20 = arith.cmpi ne, %convert_element_type3A_18, %cond3A_19 : i32
    scf.if %cond3A_20 {
      %mul3A_21 = arith.constant 3128 : i32
      %mul3A_22 = arith.muli %arg1, %mul3A_21 : i32
      %mul3A_23 = arith.constant 3128 : i32
      %mul3A_24 = arith.muli %arg1, %mul3A_23 : i32
      %add3A = arith.addi %mul3A_0, %mul3A_24 : i32
      "tpu.region"() ({
        %run_scoped3A = tpu.sem_alloc : memref<!tpu.dma_semaphore, #tpu.memory_space<semaphore_mem>>
        %dma_start3A = arith.constant 0 : i32
        %dma_start3A_25 = tpu.memref_slice %arg7[%add3A, %dma_start3A] : memref<100000x32xf32, #tpu.memory_space<hbm>> -> memref<3080x32xf32, #tpu.memory_space<hbm>>
        %dma_start3A_26 = arith.constant 0 : i32
        %dma_start3A_27 = tpu.memref_slice %arg8[%mul3A_22, %dma_start3A_26] : memref<50048x32xf32, #tpu.memory_space<vmem_shared>> -> memref<3080x32xf32, #tpu.memory_space<vmem_shared>>
        tpu.enqueue_dma source(%dma_start3A_27 : memref<3080x32xf32, #tpu.memory_space<vmem_shared>>) target(%dma_start3A_25 : memref<3080x32xf32, #tpu.memory_space<hbm>>) target_semaphore(%run_scoped3A : memref<!tpu.dma_semaphore, #tpu.memory_space<semaphore_mem>>)
        %dma_wait3A = arith.constant 0 : i32
        %dma_wait3A_28 = tpu.memref_slice %arg7[%add3A, %dma_wait3A] : memref<100000x32xf32, #tpu.memory_space<hbm>> -> memref<3080x32xf32, #tpu.memory_space<hbm>>
        %dma_wait3A_29 = arith.constant 0 : i32
        %dma_wait3A_30 = tpu.memref_slice %arg8[%mul3A_22, %dma_wait3A_29] : memref<50048x32xf32, #tpu.memory_space<vmem_shared>> -> memref<3080x32xf32, #tpu.memory_space<vmem_shared>>
        tpu.wait_dma2 semaphore(%run_scoped3A : memref<!tpu.dma_semaphore, #tpu.memory_space<semaphore_mem>>) src(%dma_wait3A_30 : memref<3080x32xf32, #tpu.memory_space<vmem_shared>>) dst(%dma_wait3A_28 : memref<3080x32xf32, #tpu.memory_space<hbm>>)
        tpu.yield
      }) : () -> ()
    } else {
    }
    return
  }
}

#map = affine_map<(d0, d1) -> (0, 0)>
#map1 = affine_map<(d0, d1) -> (0)>
module attributes {stable_mosaic.version = 14 : i64} {
  func.func @_edge_body(%arg0: i32, %arg1: i32, %arg2: memref<100000x16xf32, #tpu.memory_space<hbm>>, %arg3: memref<100000x16xf32, #tpu.memory_space<hbm>>, %arg4: memref<1600000xi32, #tpu.memory_space<hbm>>, %arg5: memref<1600000xi32, #tpu.memory_space<hbm>>, %arg6: memref<1600000xf32, #tpu.memory_space<hbm>>, %arg7: memref<1600000xf32, #tpu.memory_space<hbm>>, %arg8: memref<128xi32, #tpu.memory_space<vmem>>, %arg9: memref<128x16xf32, #tpu.memory_space<vmem>>, %arg10: memref<128x16xf32, #tpu.memory_space<vmem>>, %arg11: memref<128xf32, #tpu.memory_space<vmem>>, %arg12: memref<128xf32, #tpu.memory_space<vmem>>, %arg13: memref<!tpu.dma_semaphore, #tpu.memory_space<semaphore_mem>>) attributes {dimension_semantics = [#tpu.dimension_semantics<core_parallel>, #tpu.dimension_semantics<subcore_parallel>], iteration_bounds = array<i64: 2, 16>, scalar_prefetch = 0 : i64, scratch_operands = 6 : i64, tpu.core_type = #tpu.core_type<sc_vector_subcore>, window_params = [{transform_indices = #map}, {transform_indices = #map}, {transform_indices = #map1}, {transform_indices = #map1}, {transform_indices = #map1}, {transform_indices = #map1}]} {
    %mul3A = arith.constant 2 : i32
    %mul3A_0 = arith.muli %arg1, %mul3A : i32
    %add3A = arith.addi %mul3A_0, %arg0 : i32
    %lt3A = arith.constant 20 : i32
    %lt3A_1 = arith.cmpi slt, %add3A, %lt3A : i32
    %jit3A = arith.constant 391 : i32
    %jit3A_2 = arith.constant 390 : i32
    %select_n3A = arith.select %lt3A_1, %jit3A, %jit3A_2 : i32
    %while3A = arith.constant 0 : i32
    %while3A_3 = arith.subi %select_n3A, %while3A : i32
    %while3A_4 = arith.addi %while3A, %while3A_3 : i32
    %while3A_5 = arith.constant 1 : i32
    %while3A_6 = arith.divsi %while3A_3, %while3A_5 : i32
    %while3A_7 = arith.muli %while3A_6, %while3A_5 : i32
    %while3A_8 = arith.addi %while3A, %while3A_7 : i32
    %while3A_9 = arith.constant 1 : i32
    scf.for %while3A_11 = %while3A to %while3A_8 step %while3A_9  : i32 {
      %mul3A_12 = arith.constant 32 : i32
      %mul3A_13 = arith.muli %mul3A_12, %while3A_11 : i32
      %add3A_14 = arith.addi %add3A, %mul3A_13 : i32
      %mul3A_15 = arith.constant 128 : i32
      %mul3A_16 = arith.muli %add3A_14, %mul3A_15 : i32
      "tpu.region"() ({
        %run_scoped3A = tpu.sem_alloc : memref<!tpu.dma_semaphore, #tpu.memory_space<semaphore_mem>>
        %dma_start3A_31 = tpu.memref_slice %arg4[%mul3A_16] : memref<1600000xi32, #tpu.memory_space<hbm>> -> memref<128xi32, #tpu.memory_space<hbm>>
        %dma_start3A_32 = tpu.memref_slice %arg4[%mul3A_16] : memref<1600000xi32, #tpu.memory_space<hbm>> -> memref<128xi32, #tpu.memory_space<hbm>>
        tpu.enqueue_dma source(%dma_start3A_32 : memref<128xi32, #tpu.memory_space<hbm>>) target(%arg8 : memref<128xi32, #tpu.memory_space<vmem>>) target_semaphore(%run_scoped3A : memref<!tpu.dma_semaphore, #tpu.memory_space<semaphore_mem>>)
        %dma_wait3A_33 = tpu.memref_slice %arg4[%mul3A_16] : memref<1600000xi32, #tpu.memory_space<hbm>> -> memref<128xi32, #tpu.memory_space<hbm>>
        %dma_wait3A_34 = tpu.memref_slice %arg4[%mul3A_16] : memref<1600000xi32, #tpu.memory_space<hbm>> -> memref<128xi32, #tpu.memory_space<hbm>>
        tpu.wait_dma2 semaphore(%run_scoped3A : memref<!tpu.dma_semaphore, #tpu.memory_space<semaphore_mem>>) src(%dma_wait3A_34 : memref<128xi32, #tpu.memory_space<hbm>>) dst(%arg8 : memref<128xi32, #tpu.memory_space<vmem>>)
        tpu.yield
      }) : () -> ()
      %dma_start3A = arith.constant 0 : i32
      %dma_start3A_17 = arith.constant 0 : i32
      %dma_start3A_18 = tpu.memref_slice %arg2[%dma_start3A, %dma_start3A_17] : memref<100000x16xf32, #tpu.memory_space<hbm>> -> memref<100000x16xf32, #tpu.memory_space<hbm>>
      tpu.enqueue_indirect_dma source(%dma_start3A_18 : memref<100000x16xf32, #tpu.memory_space<hbm>>) target(%arg9 : memref<128x16xf32, #tpu.memory_space<vmem>>) offsets(%arg8 : memref<128xi32, #tpu.memory_space<vmem>>) semaphore(%arg13 : memref<!tpu.dma_semaphore, #tpu.memory_space<semaphore_mem>>)
      %dma_wait3A = arith.constant 0 : i32
      %dma_wait3A_19 = arith.constant 0 : i32
      %dma_wait3A_20 = tpu.memref_slice %arg2[%dma_wait3A, %dma_wait3A_19] : memref<100000x16xf32, #tpu.memory_space<hbm>> -> memref<100000x16xf32, #tpu.memory_space<hbm>>
      tpu.wait_indirect_dma semaphore(%arg13 : memref<!tpu.dma_semaphore, #tpu.memory_space<semaphore_mem>>) src(%dma_wait3A_20 : memref<100000x16xf32, #tpu.memory_space<hbm>>) dst(%arg9 : memref<128x16xf32, #tpu.memory_space<vmem>>)
      "tpu.region"() ({
        %run_scoped3A = tpu.sem_alloc : memref<!tpu.dma_semaphore, #tpu.memory_space<semaphore_mem>>
        %dma_start3A_31 = tpu.memref_slice %arg5[%mul3A_16] : memref<1600000xi32, #tpu.memory_space<hbm>> -> memref<128xi32, #tpu.memory_space<hbm>>
        %dma_start3A_32 = tpu.memref_slice %arg5[%mul3A_16] : memref<1600000xi32, #tpu.memory_space<hbm>> -> memref<128xi32, #tpu.memory_space<hbm>>
        tpu.enqueue_dma source(%dma_start3A_32 : memref<128xi32, #tpu.memory_space<hbm>>) target(%arg8 : memref<128xi32, #tpu.memory_space<vmem>>) target_semaphore(%run_scoped3A : memref<!tpu.dma_semaphore, #tpu.memory_space<semaphore_mem>>)
        %dma_wait3A_33 = tpu.memref_slice %arg5[%mul3A_16] : memref<1600000xi32, #tpu.memory_space<hbm>> -> memref<128xi32, #tpu.memory_space<hbm>>
        %dma_wait3A_34 = tpu.memref_slice %arg5[%mul3A_16] : memref<1600000xi32, #tpu.memory_space<hbm>> -> memref<128xi32, #tpu.memory_space<hbm>>
        tpu.wait_dma2 semaphore(%run_scoped3A : memref<!tpu.dma_semaphore, #tpu.memory_space<semaphore_mem>>) src(%dma_wait3A_34 : memref<128xi32, #tpu.memory_space<hbm>>) dst(%arg8 : memref<128xi32, #tpu.memory_space<vmem>>)
        tpu.yield
      }) : () -> ()
      %dma_start3A_21 = arith.constant 0 : i32
      %dma_start3A_22 = arith.constant 0 : i32
      %dma_start3A_23 = tpu.memref_slice %arg3[%dma_start3A_21, %dma_start3A_22] : memref<100000x16xf32, #tpu.memory_space<hbm>> -> memref<100000x16xf32, #tpu.memory_space<hbm>>
      tpu.enqueue_indirect_dma source(%dma_start3A_23 : memref<100000x16xf32, #tpu.memory_space<hbm>>) target(%arg10 : memref<128x16xf32, #tpu.memory_space<vmem>>) offsets(%arg8 : memref<128xi32, #tpu.memory_space<vmem>>) semaphore(%arg13 : memref<!tpu.dma_semaphore, #tpu.memory_space<semaphore_mem>>)
      %dma_wait3A_24 = arith.constant 0 : i32
      %dma_wait3A_25 = arith.constant 0 : i32
      %dma_wait3A_26 = tpu.memref_slice %arg3[%dma_wait3A_24, %dma_wait3A_25] : memref<100000x16xf32, #tpu.memory_space<hbm>> -> memref<100000x16xf32, #tpu.memory_space<hbm>>
      tpu.wait_indirect_dma semaphore(%arg13 : memref<!tpu.dma_semaphore, #tpu.memory_space<semaphore_mem>>) src(%dma_wait3A_26 : memref<100000x16xf32, #tpu.memory_space<hbm>>) dst(%arg10 : memref<128x16xf32, #tpu.memory_space<vmem>>)
      %scan3A = arith.constant 0 : i32
      %scan3A_27 = arith.constant 8 : i32
      %scan3A_28 = arith.addi %scan3A, %scan3A_27 : i32
      %scan3A_29 = arith.constant 1 : i32
      scf.for %scan3A_31 = %scan3A to %scan3A_28 step %scan3A_29  : i32 {
        %iota3A = tpu.iota {dimensions = array<i32: 0>} : vector<16xi32>
        %mul3A_32 = arith.constant 16 : i32
        %mul3A_33 = arith.muli %scan3A_31, %mul3A_32 : i32
        %add3A_34 = vector.broadcast %mul3A_33 : i32 to vector<16xi32>
        %add3A_35 = arith.addi %iota3A, %add3A_34 : vector<16xi32>
        %broadcast_in_dim3A = arith.constant 0 : i32
        %broadcast_in_dim3A_36 = vector.broadcast %broadcast_in_dim3A : i32 to vector<16xi32>
        %broadcast_in_dim3A_37 = arith.constant 1 : i32
        %broadcast_in_dim3A_38 = vector.broadcast %broadcast_in_dim3A_37 : i32 to vector<16xi32>
        %gather3A = tpu.vector_load_idx %arg9[%add3A_35, %broadcast_in_dim3A_36] : memref<128x16xf32, #tpu.memory_space<vmem>>[vector<16xi32>, vector<16xi32>], vector<16xf32>,
        %gather3A_39 = tpu.vector_load_idx %arg10[%add3A_35, %broadcast_in_dim3A_36] : memref<128x16xf32, #tpu.memory_space<vmem>>[vector<16xi32>, vector<16xi32>], vector<16xf32>,
        %add3A_40 = arith.addf %gather3A, %gather3A_39 : vector<16xf32>
        %gather3A_41 = tpu.vector_load_idx %arg9[%add3A_35, %broadcast_in_dim3A_38] : memref<128x16xf32, #tpu.memory_space<vmem>>[vector<16xi32>, vector<16xi32>], vector<16xf32>,
        %gather3A_42 = tpu.vector_load_idx %arg10[%add3A_35, %broadcast_in_dim3A_38] : memref<128x16xf32, #tpu.memory_space<vmem>>[vector<16xi32>, vector<16xi32>], vector<16xf32>,
        %add3A_43 = arith.addf %gather3A_41, %gather3A_42 : vector<16xf32>
        %mul3A_44 = arith.constant 2.000000e+00 : f32
        %mul3A_45 = vector.broadcast %mul3A_44 : f32 to vector<16xf32>
        %mul3A_46 = arith.mulf %mul3A_45, %add3A_40 : vector<16xf32>
        %min3A = arith.constant 3.000000e+01 : f32
        %min3A_47 = vector.broadcast %min3A : f32 to vector<16xf32>
        %min3A_48 = arith.minimumf %mul3A_46, %min3A_47 : vector<16xf32>
        %exp3A = math.exp %min3A_48 : vector<16xf32>
        %sub3A = arith.constant 1.000000e+00 : f32
        %sub3A_49 = vector.broadcast %sub3A : f32 to vector<16xf32>
        %sub3A_50 = arith.subf %exp3A, %sub3A_49 : vector<16xf32>
        %add3A_51 = arith.constant 1.000000e+00 : f32
        %add3A_52 = vector.broadcast %add3A_51 : f32 to vector<16xf32>
        %add3A_53 = arith.addf %exp3A, %add3A_52 : vector<16xf32>
        %div3A = arith.divf %sub3A_50, %add3A_53 : vector<16xf32>
        %mul3A_54 = arith.mulf %add3A_40, %add3A_40 : vector<16xf32>
        %mul3A_55 = arith.constant 0.333333343 : f32
        %mul3A_56 = vector.broadcast %mul3A_55 : f32 to vector<16xf32>
        %mul3A_57 = arith.mulf %mul3A_54, %mul3A_56 : vector<16xf32>
        %sub3A_58 = arith.constant 1.000000e+00 : f32
        %sub3A_59 = vector.broadcast %sub3A_58 : f32 to vector<16xf32>
        %sub3A_60 = arith.subf %sub3A_59, %mul3A_57 : vector<16xf32>
        %mul3A_61 = arith.mulf %mul3A_54, %mul3A_54 : vector<16xf32>
        %mul3A_62 = arith.constant 0.13333334 : f32
        %mul3A_63 = vector.broadcast %mul3A_62 : f32 to vector<16xf32>
        %mul3A_64 = arith.mulf %mul3A_61, %mul3A_63 : vector<16xf32>
        %add3A_65 = arith.addf %sub3A_60, %mul3A_64 : vector<16xf32>
        %mul3A_66 = arith.mulf %add3A_40, %add3A_65 : vector<16xf32>
        %abs3A = math.absf %add3A_40 : vector<16xf32>
        %lt3A_67 = arith.constant 2.500000e-01 : f32
        %lt3A_68 = vector.broadcast %lt3A_67 : f32 to vector<16xf32>
        %lt3A_69 = arith.cmpf olt, %abs3A, %lt3A_68 : vector<16xf32>
        %select_n3A_70 = arith.select %lt3A_69, %mul3A_66, %div3A : vector<16xi1>, vector<16xf32>
        %mul3A_71 = arith.constant 1.200000e+01 : f32
        %mul3A_72 = vector.broadcast %mul3A_71 : f32 to vector<16xf32>
        %mul3A_73 = arith.mulf %mul3A_72, %select_n3A_70 : vector<16xf32>
        %exp3A_74 = math.exp %mul3A_73 : vector<16xf32>
        %mul3A_75 = arith.constant 16 : i32
        %mul3A_76 = arith.muli %scan3A_31, %mul3A_75 : i32
        %swap3A = arith.index_cast %mul3A_76 : i32 to index
        %swap3A_77 = tpu.vector_load %arg11[%swap3A] {strides = array<i32>} : memref<128xf32, #tpu.memory_space<vmem>>, vector<16xf32>,
        tpu.vector_store %arg11[%swap3A], %exp3A_74 {strides = array<i32>} : memref<128xf32, #tpu.memory_space<vmem>>, vector<16xf32>,
        %mul3A_78 = arith.constant 2.000000e+00 : f32
        %mul3A_79 = vector.broadcast %mul3A_78 : f32 to vector<16xf32>
        %mul3A_80 = arith.mulf %mul3A_79, %add3A_43 : vector<16xf32>
        %min3A_81 = arith.constant 3.000000e+01 : f32
        %min3A_82 = vector.broadcast %min3A_81 : f32 to vector<16xf32>
        %min3A_83 = arith.minimumf %mul3A_80, %min3A_82 : vector<16xf32>
        %exp3A_84 = math.exp %min3A_83 : vector<16xf32>
        %sub3A_85 = arith.constant 1.000000e+00 : f32
        %sub3A_86 = vector.broadcast %sub3A_85 : f32 to vector<16xf32>
        %sub3A_87 = arith.subf %exp3A_84, %sub3A_86 : vector<16xf32>
        %add3A_88 = arith.constant 1.000000e+00 : f32
        %add3A_89 = vector.broadcast %add3A_88 : f32 to vector<16xf32>
        %add3A_90 = arith.addf %exp3A_84, %add3A_89 : vector<16xf32>
        %div3A_91 = arith.divf %sub3A_87, %add3A_90 : vector<16xf32>
        %mul3A_92 = arith.mulf %add3A_43, %add3A_43 : vector<16xf32>
        %mul3A_93 = arith.constant 0.333333343 : f32
        %mul3A_94 = vector.broadcast %mul3A_93 : f32 to vector<16xf32>
        %mul3A_95 = arith.mulf %mul3A_92, %mul3A_94 : vector<16xf32>
        %sub3A_96 = arith.constant 1.000000e+00 : f32
        %sub3A_97 = vector.broadcast %sub3A_96 : f32 to vector<16xf32>
        %sub3A_98 = arith.subf %sub3A_97, %mul3A_95 : vector<16xf32>
        %mul3A_99 = arith.mulf %mul3A_92, %mul3A_92 : vector<16xf32>
        %mul3A_100 = arith.constant 0.13333334 : f32
        %mul3A_101 = vector.broadcast %mul3A_100 : f32 to vector<16xf32>
        %mul3A_102 = arith.mulf %mul3A_99, %mul3A_101 : vector<16xf32>
        %add3A_103 = arith.addf %sub3A_98, %mul3A_102 : vector<16xf32>
        %mul3A_104 = arith.mulf %add3A_43, %add3A_103 : vector<16xf32>
        %abs3A_105 = math.absf %add3A_43 : vector<16xf32>
        %lt3A_106 = arith.constant 2.500000e-01 : f32
        %lt3A_107 = vector.broadcast %lt3A_106 : f32 to vector<16xf32>
        %lt3A_108 = arith.cmpf olt, %abs3A_105, %lt3A_107 : vector<16xf32>
        %select_n3A_109 = arith.select %lt3A_108, %mul3A_104, %div3A_91 : vector<16xi1>, vector<16xf32>
        %mul3A_110 = arith.constant 4.000000e+00 : f32
        %mul3A_111 = vector.broadcast %mul3A_110 : f32 to vector<16xf32>
        %mul3A_112 = arith.mulf %mul3A_111, %select_n3A_109 : vector<16xf32>
        %mul3A_113 = arith.constant 16 : i32
        %mul3A_114 = arith.muli %scan3A_31, %mul3A_113 : i32
        %swap3A_115 = arith.index_cast %mul3A_114 : i32 to index
        %swap3A_116 = tpu.vector_load %arg12[%swap3A_115] {strides = array<i32>} : memref<128xf32, #tpu.memory_space<vmem>>, vector<16xf32>,
        tpu.vector_store %arg12[%swap3A_115], %mul3A_112 {strides = array<i32>} : memref<128xf32, #tpu.memory_space<vmem>>, vector<16xf32>,
      }
      %scan3A_30 = arith.constant 8 : i32
      "tpu.region"() ({
        %run_scoped3A = tpu.sem_alloc : memref<!tpu.dma_semaphore, #tpu.memory_space<semaphore_mem>>
        %dma_start3A_31 = tpu.memref_slice %arg6[%mul3A_16] : memref<1600000xf32, #tpu.memory_space<hbm>> -> memref<128xf32, #tpu.memory_space<hbm>>
        %dma_start3A_32 = tpu.memref_slice %arg6[%mul3A_16] : memref<1600000xf32, #tpu.memory_space<hbm>> -> memref<128xf32, #tpu.memory_space<hbm>>
        tpu.enqueue_dma source(%arg11 : memref<128xf32, #tpu.memory_space<vmem>>) target(%dma_start3A_32 : memref<128xf32, #tpu.memory_space<hbm>>) target_semaphore(%run_scoped3A : memref<!tpu.dma_semaphore, #tpu.memory_space<semaphore_mem>>)
        %dma_wait3A_33 = tpu.memref_slice %arg6[%mul3A_16] : memref<1600000xf32, #tpu.memory_space<hbm>> -> memref<128xf32, #tpu.memory_space<hbm>>
        %dma_wait3A_34 = tpu.memref_slice %arg6[%mul3A_16] : memref<1600000xf32, #tpu.memory_space<hbm>> -> memref<128xf32, #tpu.memory_space<hbm>>
        tpu.wait_dma2 semaphore(%run_scoped3A : memref<!tpu.dma_semaphore, #tpu.memory_space<semaphore_mem>>) src(%arg11 : memref<128xf32, #tpu.memory_space<vmem>>) dst(%dma_wait3A_34 : memref<128xf32, #tpu.memory_space<hbm>>)
        tpu.yield
      }) : () -> ()
      "tpu.region"() ({
        %run_scoped3A = tpu.sem_alloc : memref<!tpu.dma_semaphore, #tpu.memory_space<semaphore_mem>>
        %dma_start3A_31 = tpu.memref_slice %arg7[%mul3A_16] : memref<1600000xf32, #tpu.memory_space<hbm>> -> memref<128xf32, #tpu.memory_space<hbm>>
        %dma_start3A_32 = tpu.memref_slice %arg7[%mul3A_16] : memref<1600000xf32, #tpu.memory_space<hbm>> -> memref<128xf32, #tpu.memory_space<hbm>>
        tpu.enqueue_dma source(%arg12 : memref<128xf32, #tpu.memory_space<vmem>>) target(%dma_start3A_32 : memref<128xf32, #tpu.memory_space<hbm>>) target_semaphore(%run_scoped3A : memref<!tpu.dma_semaphore, #tpu.memory_space<semaphore_mem>>)
        %dma_wait3A_33 = tpu.memref_slice %arg7[%mul3A_16] : memref<1600000xf32, #tpu.memory_space<hbm>> -> memref<128xf32, #tpu.memory_space<hbm>>
        %dma_wait3A_34 = tpu.memref_slice %arg7[%mul3A_16] : memref<1600000xf32, #tpu.memory_space<hbm>> -> memref<128xf32, #tpu.memory_space<hbm>>
        tpu.wait_dma2 semaphore(%run_scoped3A : memref<!tpu.dma_semaphore, #tpu.memory_space<semaphore_mem>>) src(%arg12 : memref<128xf32, #tpu.memory_space<vmem>>) dst(%dma_wait3A_34 : memref<128xf32, #tpu.memory_space<hbm>>)
        tpu.yield
      }) : () -> ()
    }
    %while3A_10 = arith.constant 1 : i32
    scf.for %while3A_11 = %while3A_8 to %while3A_4 step %while3A_10  : i32 {
      %mul3A_12 = arith.constant 32 : i32
      %mul3A_13 = arith.muli %mul3A_12, %while3A_11 : i32
      %add3A_14 = arith.addi %add3A, %mul3A_13 : i32
      %mul3A_15 = arith.constant 128 : i32
      %mul3A_16 = arith.muli %add3A_14, %mul3A_15 : i32
      "tpu.region"() ({
        %run_scoped3A = tpu.sem_alloc : memref<!tpu.dma_semaphore, #tpu.memory_space<semaphore_mem>>
        %dma_start3A_31 = tpu.memref_slice %arg4[%mul3A_16] : memref<1600000xi32, #tpu.memory_space<hbm>> -> memref<128xi32, #tpu.memory_space<hbm>>
        %dma_start3A_32 = tpu.memref_slice %arg4[%mul3A_16] : memref<1600000xi32, #tpu.memory_space<hbm>> -> memref<128xi32, #tpu.memory_space<hbm>>
        tpu.enqueue_dma source(%dma_start3A_32 : memref<128xi32, #tpu.memory_space<hbm>>) target(%arg8 : memref<128xi32, #tpu.memory_space<vmem>>) target_semaphore(%run_scoped3A : memref<!tpu.dma_semaphore, #tpu.memory_space<semaphore_mem>>)
        %dma_wait3A_33 = tpu.memref_slice %arg4[%mul3A_16] : memref<1600000xi32, #tpu.memory_space<hbm>> -> memref<128xi32, #tpu.memory_space<hbm>>
        %dma_wait3A_34 = tpu.memref_slice %arg4[%mul3A_16] : memref<1600000xi32, #tpu.memory_space<hbm>> -> memref<128xi32, #tpu.memory_space<hbm>>
        tpu.wait_dma2 semaphore(%run_scoped3A : memref<!tpu.dma_semaphore, #tpu.memory_space<semaphore_mem>>) src(%dma_wait3A_34 : memref<128xi32, #tpu.memory_space<hbm>>) dst(%arg8 : memref<128xi32, #tpu.memory_space<vmem>>)
        tpu.yield
      }) : () -> ()
      %dma_start3A = arith.constant 0 : i32
      %dma_start3A_17 = arith.constant 0 : i32
      %dma_start3A_18 = tpu.memref_slice %arg2[%dma_start3A, %dma_start3A_17] : memref<100000x16xf32, #tpu.memory_space<hbm>> -> memref<100000x16xf32, #tpu.memory_space<hbm>>
      tpu.enqueue_indirect_dma source(%dma_start3A_18 : memref<100000x16xf32, #tpu.memory_space<hbm>>) target(%arg9 : memref<128x16xf32, #tpu.memory_space<vmem>>) offsets(%arg8 : memref<128xi32, #tpu.memory_space<vmem>>) semaphore(%arg13 : memref<!tpu.dma_semaphore, #tpu.memory_space<semaphore_mem>>)
      %dma_wait3A = arith.constant 0 : i32
      %dma_wait3A_19 = arith.constant 0 : i32
      %dma_wait3A_20 = tpu.memref_slice %arg2[%dma_wait3A, %dma_wait3A_19] : memref<100000x16xf32, #tpu.memory_space<hbm>> -> memref<100000x16xf32, #tpu.memory_space<hbm>>
      tpu.wait_indirect_dma semaphore(%arg13 : memref<!tpu.dma_semaphore, #tpu.memory_space<semaphore_mem>>) src(%dma_wait3A_20 : memref<100000x16xf32, #tpu.memory_space<hbm>>) dst(%arg9 : memref<128x16xf32, #tpu.memory_space<vmem>>)
      "tpu.region"() ({
        %run_scoped3A = tpu.sem_alloc : memref<!tpu.dma_semaphore, #tpu.memory_space<semaphore_mem>>
        %dma_start3A_31 = tpu.memref_slice %arg5[%mul3A_16] : memref<1600000xi32, #tpu.memory_space<hbm>> -> memref<128xi32, #tpu.memory_space<hbm>>
        %dma_start3A_32 = tpu.memref_slice %arg5[%mul3A_16] : memref<1600000xi32, #tpu.memory_space<hbm>> -> memref<128xi32, #tpu.memory_space<hbm>>
        tpu.enqueue_dma source(%dma_start3A_32 : memref<128xi32, #tpu.memory_space<hbm>>) target(%arg8 : memref<128xi32, #tpu.memory_space<vmem>>) target_semaphore(%run_scoped3A : memref<!tpu.dma_semaphore, #tpu.memory_space<semaphore_mem>>)
        %dma_wait3A_33 = tpu.memref_slice %arg5[%mul3A_16] : memref<1600000xi32, #tpu.memory_space<hbm>> -> memref<128xi32, #tpu.memory_space<hbm>>
        %dma_wait3A_34 = tpu.memref_slice %arg5[%mul3A_16] : memref<1600000xi32, #tpu.memory_space<hbm>> -> memref<128xi32, #tpu.memory_space<hbm>>
        tpu.wait_dma2 semaphore(%run_scoped3A : memref<!tpu.dma_semaphore, #tpu.memory_space<semaphore_mem>>) src(%dma_wait3A_34 : memref<128xi32, #tpu.memory_space<hbm>>) dst(%arg8 : memref<128xi32, #tpu.memory_space<vmem>>)
        tpu.yield
      }) : () -> ()
      %dma_start3A_21 = arith.constant 0 : i32
      %dma_start3A_22 = arith.constant 0 : i32
      %dma_start3A_23 = tpu.memref_slice %arg3[%dma_start3A_21, %dma_start3A_22] : memref<100000x16xf32, #tpu.memory_space<hbm>> -> memref<100000x16xf32, #tpu.memory_space<hbm>>
      tpu.enqueue_indirect_dma source(%dma_start3A_23 : memref<100000x16xf32, #tpu.memory_space<hbm>>) target(%arg10 : memref<128x16xf32, #tpu.memory_space<vmem>>) offsets(%arg8 : memref<128xi32, #tpu.memory_space<vmem>>) semaphore(%arg13 : memref<!tpu.dma_semaphore, #tpu.memory_space<semaphore_mem>>)
      %dma_wait3A_24 = arith.constant 0 : i32
      %dma_wait3A_25 = arith.constant 0 : i32
      %dma_wait3A_26 = tpu.memref_slice %arg3[%dma_wait3A_24, %dma_wait3A_25] : memref<100000x16xf32, #tpu.memory_space<hbm>> -> memref<100000x16xf32, #tpu.memory_space<hbm>>
      tpu.wait_indirect_dma semaphore(%arg13 : memref<!tpu.dma_semaphore, #tpu.memory_space<semaphore_mem>>) src(%dma_wait3A_26 : memref<100000x16xf32, #tpu.memory_space<hbm>>) dst(%arg10 : memref<128x16xf32, #tpu.memory_space<vmem>>)
      %scan3A = arith.constant 0 : i32
      %scan3A_27 = arith.constant 8 : i32
      %scan3A_28 = arith.addi %scan3A, %scan3A_27 : i32
      %scan3A_29 = arith.constant 1 : i32
      scf.for %scan3A_31 = %scan3A to %scan3A_28 step %scan3A_29  : i32 {
        %iota3A = tpu.iota {dimensions = array<i32: 0>} : vector<16xi32>
        %mul3A_32 = arith.constant 16 : i32
        %mul3A_33 = arith.muli %scan3A_31, %mul3A_32 : i32
        %add3A_34 = vector.broadcast %mul3A_33 : i32 to vector<16xi32>
        %add3A_35 = arith.addi %iota3A, %add3A_34 : vector<16xi32>
        %broadcast_in_dim3A = arith.constant 0 : i32
        %broadcast_in_dim3A_36 = vector.broadcast %broadcast_in_dim3A : i32 to vector<16xi32>
        %broadcast_in_dim3A_37 = arith.constant 1 : i32
        %broadcast_in_dim3A_38 = vector.broadcast %broadcast_in_dim3A_37 : i32 to vector<16xi32>
        %gather3A = tpu.vector_load_idx %arg9[%add3A_35, %broadcast_in_dim3A_36] : memref<128x16xf32, #tpu.memory_space<vmem>>[vector<16xi32>, vector<16xi32>], vector<16xf32>,
        %gather3A_39 = tpu.vector_load_idx %arg10[%add3A_35, %broadcast_in_dim3A_36] : memref<128x16xf32, #tpu.memory_space<vmem>>[vector<16xi32>, vector<16xi32>], vector<16xf32>,
        %add3A_40 = arith.addf %gather3A, %gather3A_39 : vector<16xf32>
        %gather3A_41 = tpu.vector_load_idx %arg9[%add3A_35, %broadcast_in_dim3A_38] : memref<128x16xf32, #tpu.memory_space<vmem>>[vector<16xi32>, vector<16xi32>], vector<16xf32>,
        %gather3A_42 = tpu.vector_load_idx %arg10[%add3A_35, %broadcast_in_dim3A_38] : memref<128x16xf32, #tpu.memory_space<vmem>>[vector<16xi32>, vector<16xi32>], vector<16xf32>,
        %add3A_43 = arith.addf %gather3A_41, %gather3A_42 : vector<16xf32>
        %mul3A_44 = arith.constant 2.000000e+00 : f32
        %mul3A_45 = vector.broadcast %mul3A_44 : f32 to vector<16xf32>
        %mul3A_46 = arith.mulf %mul3A_45, %add3A_40 : vector<16xf32>
        %min3A = arith.constant 3.000000e+01 : f32
        %min3A_47 = vector.broadcast %min3A : f32 to vector<16xf32>
        %min3A_48 = arith.minimumf %mul3A_46, %min3A_47 : vector<16xf32>
        %exp3A = math.exp %min3A_48 : vector<16xf32>
        %sub3A = arith.constant 1.000000e+00 : f32
        %sub3A_49 = vector.broadcast %sub3A : f32 to vector<16xf32>
        %sub3A_50 = arith.subf %exp3A, %sub3A_49 : vector<16xf32>
        %add3A_51 = arith.constant 1.000000e+00 : f32
        %add3A_52 = vector.broadcast %add3A_51 : f32 to vector<16xf32>
        %add3A_53 = arith.addf %exp3A, %add3A_52 : vector<16xf32>
        %div3A = arith.divf %sub3A_50, %add3A_53 : vector<16xf32>
        %mul3A_54 = arith.mulf %add3A_40, %add3A_40 : vector<16xf32>
        %mul3A_55 = arith.constant 0.333333343 : f32
        %mul3A_56 = vector.broadcast %mul3A_55 : f32 to vector<16xf32>
        %mul3A_57 = arith.mulf %mul3A_54, %mul3A_56 : vector<16xf32>
        %sub3A_58 = arith.constant 1.000000e+00 : f32
        %sub3A_59 = vector.broadcast %sub3A_58 : f32 to vector<16xf32>
        %sub3A_60 = arith.subf %sub3A_59, %mul3A_57 : vector<16xf32>
        %mul3A_61 = arith.mulf %mul3A_54, %mul3A_54 : vector<16xf32>
        %mul3A_62 = arith.constant 0.13333334 : f32
        %mul3A_63 = vector.broadcast %mul3A_62 : f32 to vector<16xf32>
        %mul3A_64 = arith.mulf %mul3A_61, %mul3A_63 : vector<16xf32>
        %add3A_65 = arith.addf %sub3A_60, %mul3A_64 : vector<16xf32>
        %mul3A_66 = arith.mulf %add3A_40, %add3A_65 : vector<16xf32>
        %abs3A = math.absf %add3A_40 : vector<16xf32>
        %lt3A_67 = arith.constant 2.500000e-01 : f32
        %lt3A_68 = vector.broadcast %lt3A_67 : f32 to vector<16xf32>
        %lt3A_69 = arith.cmpf olt, %abs3A, %lt3A_68 : vector<16xf32>
        %select_n3A_70 = arith.select %lt3A_69, %mul3A_66, %div3A : vector<16xi1>, vector<16xf32>
        %mul3A_71 = arith.constant 1.200000e+01 : f32
        %mul3A_72 = vector.broadcast %mul3A_71 : f32 to vector<16xf32>
        %mul3A_73 = arith.mulf %mul3A_72, %select_n3A_70 : vector<16xf32>
        %exp3A_74 = math.exp %mul3A_73 : vector<16xf32>
        %mul3A_75 = arith.constant 16 : i32
        %mul3A_76 = arith.muli %scan3A_31, %mul3A_75 : i32
        %swap3A = arith.index_cast %mul3A_76 : i32 to index
        %swap3A_77 = tpu.vector_load %arg11[%swap3A] {strides = array<i32>} : memref<128xf32, #tpu.memory_space<vmem>>, vector<16xf32>,
        tpu.vector_store %arg11[%swap3A], %exp3A_74 {strides = array<i32>} : memref<128xf32, #tpu.memory_space<vmem>>, vector<16xf32>,
        %mul3A_78 = arith.constant 2.000000e+00 : f32
        %mul3A_79 = vector.broadcast %mul3A_78 : f32 to vector<16xf32>
        %mul3A_80 = arith.mulf %mul3A_79, %add3A_43 : vector<16xf32>
        %min3A_81 = arith.constant 3.000000e+01 : f32
        %min3A_82 = vector.broadcast %min3A_81 : f32 to vector<16xf32>
        %min3A_83 = arith.minimumf %mul3A_80, %min3A_82 : vector<16xf32>
        %exp3A_84 = math.exp %min3A_83 : vector<16xf32>
        %sub3A_85 = arith.constant 1.000000e+00 : f32
        %sub3A_86 = vector.broadcast %sub3A_85 : f32 to vector<16xf32>
        %sub3A_87 = arith.subf %exp3A_84, %sub3A_86 : vector<16xf32>
        %add3A_88 = arith.constant 1.000000e+00 : f32
        %add3A_89 = vector.broadcast %add3A_88 : f32 to vector<16xf32>
        %add3A_90 = arith.addf %exp3A_84, %add3A_89 : vector<16xf32>
        %div3A_91 = arith.divf %sub3A_87, %add3A_90 : vector<16xf32>
        %mul3A_92 = arith.mulf %add3A_43, %add3A_43 : vector<16xf32>
        %mul3A_93 = arith.constant 0.333333343 : f32
        %mul3A_94 = vector.broadcast %mul3A_93 : f32 to vector<16xf32>
        %mul3A_95 = arith.mulf %mul3A_92, %mul3A_94 : vector<16xf32>
        %sub3A_96 = arith.constant 1.000000e+00 : f32
        %sub3A_97 = vector.broadcast %sub3A_96 : f32 to vector<16xf32>
        %sub3A_98 = arith.subf %sub3A_97, %mul3A_95 : vector<16xf32>
        %mul3A_99 = arith.mulf %mul3A_92, %mul3A_92 : vector<16xf32>
        %mul3A_100 = arith.constant 0.13333334 : f32
        %mul3A_101 = vector.broadcast %mul3A_100 : f32 to vector<16xf32>
        %mul3A_102 = arith.mulf %mul3A_99, %mul3A_101 : vector<16xf32>
        %add3A_103 = arith.addf %sub3A_98, %mul3A_102 : vector<16xf32>
        %mul3A_104 = arith.mulf %add3A_43, %add3A_103 : vector<16xf32>
        %abs3A_105 = math.absf %add3A_43 : vector<16xf32>
        %lt3A_106 = arith.constant 2.500000e-01 : f32
        %lt3A_107 = vector.broadcast %lt3A_106 : f32 to vector<16xf32>
        %lt3A_108 = arith.cmpf olt, %abs3A_105, %lt3A_107 : vector<16xf32>
        %select_n3A_109 = arith.select %lt3A_108, %mul3A_104, %div3A_91 : vector<16xi1>, vector<16xf32>
        %mul3A_110 = arith.constant 4.000000e+00 : f32
        %mul3A_111 = vector.broadcast %mul3A_110 : f32 to vector<16xf32>
        %mul3A_112 = arith.mulf %mul3A_111, %select_n3A_109 : vector<16xf32>
        %mul3A_113 = arith.constant 16 : i32
        %mul3A_114 = arith.muli %scan3A_31, %mul3A_113 : i32
        %swap3A_115 = arith.index_cast %mul3A_114 : i32 to index
        %swap3A_116 = tpu.vector_load %arg12[%swap3A_115] {strides = array<i32>} : memref<128xf32, #tpu.memory_space<vmem>>, vector<16xf32>,
        tpu.vector_store %arg12[%swap3A_115], %mul3A_112 {strides = array<i32>} : memref<128xf32, #tpu.memory_space<vmem>>, vector<16xf32>,
      }
      %scan3A_30 = arith.constant 8 : i32
      "tpu.region"() ({
        %run_scoped3A = tpu.sem_alloc : memref<!tpu.dma_semaphore, #tpu.memory_space<semaphore_mem>>
        %dma_start3A_31 = tpu.memref_slice %arg6[%mul3A_16] : memref<1600000xf32, #tpu.memory_space<hbm>> -> memref<128xf32, #tpu.memory_space<hbm>>
        %dma_start3A_32 = tpu.memref_slice %arg6[%mul3A_16] : memref<1600000xf32, #tpu.memory_space<hbm>> -> memref<128xf32, #tpu.memory_space<hbm>>
        tpu.enqueue_dma source(%arg11 : memref<128xf32, #tpu.memory_space<vmem>>) target(%dma_start3A_32 : memref<128xf32, #tpu.memory_space<hbm>>) target_semaphore(%run_scoped3A : memref<!tpu.dma_semaphore, #tpu.memory_space<semaphore_mem>>)
        %dma_wait3A_33 = tpu.memref_slice %arg6[%mul3A_16] : memref<1600000xf32, #tpu.memory_space<hbm>> -> memref<128xf32, #tpu.memory_space<hbm>>
        %dma_wait3A_34 = tpu.memref_slice %arg6[%mul3A_16] : memref<1600000xf32, #tpu.memory_space<hbm>> -> memref<128xf32, #tpu.memory_space<hbm>>
        tpu.wait_dma2 semaphore(%run_scoped3A : memref<!tpu.dma_semaphore, #tpu.memory_space<semaphore_mem>>) src(%arg11 : memref<128xf32, #tpu.memory_space<vmem>>) dst(%dma_wait3A_34 : memref<128xf32, #tpu.memory_space<hbm>>)
        tpu.yield
      }) : () -> ()
      "tpu.region"() ({
        %run_scoped3A = tpu.sem_alloc : memref<!tpu.dma_semaphore, #tpu.memory_space<semaphore_mem>>
        %dma_start3A_31 = tpu.memref_slice %arg7[%mul3A_16] : memref<1600000xf32, #tpu.memory_space<hbm>> -> memref<128xf32, #tpu.memory_space<hbm>>
        %dma_start3A_32 = tpu.memref_slice %arg7[%mul3A_16] : memref<1600000xf32, #tpu.memory_space<hbm>> -> memref<128xf32, #tpu.memory_space<hbm>>
        tpu.enqueue_dma source(%arg12 : memref<128xf32, #tpu.memory_space<vmem>>) target(%dma_start3A_32 : memref<128xf32, #tpu.memory_space<hbm>>) target_semaphore(%run_scoped3A : memref<!tpu.dma_semaphore, #tpu.memory_space<semaphore_mem>>)
        %dma_wait3A_33 = tpu.memref_slice %arg7[%mul3A_16] : memref<1600000xf32, #tpu.memory_space<hbm>> -> memref<128xf32, #tpu.memory_space<hbm>>
        %dma_wait3A_34 = tpu.memref_slice %arg7[%mul3A_16] : memref<1600000xf32, #tpu.memory_space<hbm>> -> memref<128xf32, #tpu.memory_space<hbm>>
        tpu.wait_dma2 semaphore(%run_scoped3A : memref<!tpu.dma_semaphore, #tpu.memory_space<semaphore_mem>>) src(%arg12 : memref<128xf32, #tpu.memory_space<vmem>>) dst(%dma_wait3A_34 : memref<128xf32, #tpu.memory_space<hbm>>)
        tpu.yield
      }) : () -> ()
    }
    return
  }
}

module attributes {stable_mosaic.version = 14 : i64} {
  func.func @_he_body(%arg0: i32, %arg1: memref<6400x8xf32, #tpu.memory_space<vmem>>, %arg2: memref<8x32xf32, #tpu.memory_space<vmem>>, %arg3: memref<1x32xf32, #tpu.memory_space<vmem>>, %arg4: memref<32x32xf32, #tpu.memory_space<vmem>>, %arg5: memref<1x32xf32, #tpu.memory_space<vmem>>, %arg6: memref<32x32xf32, #tpu.memory_space<vmem>>, %arg7: memref<1x32xf32, #tpu.memory_space<vmem>>, %arg8: memref<6400x32xf32, #tpu.memory_space<vmem>>) attributes {dimension_semantics = [#tpu.dimension_semantics<arbitrary>], iteration_bounds = array<i64: 250>, scalar_prefetch = 0 : i64, scratch_operands = 0 : i64, tpu.core_type = #tpu.core_type<tc>, window_params = [{transform_indices = @transform_0, window_bounds = array<i64: 6400, 8>}, {pipeline_mode = #tpu.pipeline_mode<synchronous>, transform_indices = @transform_1, window_bounds = array<i64: 8, 32>}, {pipeline_mode = #tpu.pipeline_mode<synchronous>, transform_indices = @transform_2, window_bounds = array<i64: 1, 32>}, {pipeline_mode = #tpu.pipeline_mode<synchronous>, transform_indices = @transform_3, window_bounds = array<i64: 32, 32>}, {pipeline_mode = #tpu.pipeline_mode<synchronous>, transform_indices = @transform_4, window_bounds = array<i64: 1, 32>}, {pipeline_mode = #tpu.pipeline_mode<synchronous>, transform_indices = @transform_5, window_bounds = array<i64: 32, 32>}, {pipeline_mode = #tpu.pipeline_mode<synchronous>, transform_indices = @transform_6, window_bounds = array<i64: 1, 32>}, {transform_indices = @transform_7, window_bounds = array<i64: 6400, 32>}]} {
    %get3A = arith.constant 0 : index
    %get3A_0 = arith.constant 0 : index
    %get3A_1 = vector.load %arg1[%get3A, %get3A_0] : memref<6400x8xf32, #tpu.memory_space<vmem>>, vector<6400x8xf32>
    %get3A_2 = arith.constant 0 : index
    %get3A_3 = arith.constant 0 : index
    %get3A_4 = vector.load %arg2[%get3A_2, %get3A_3] : memref<8x32xf32, #tpu.memory_space<vmem>>, vector<8x32xf32>
    %dot_general3A = arith.constant dense<0.000000e+00> : vector<6400x32xf32>
    %dot_general3A_5 = tpu.matmul %get3A_1, %get3A_4, %dot_general3A {dimension_numbers = #tpu.dot_dimension_numbers<[1], [0], [0], [1], [0, 0, 1, 1], [], []>, transpose_lhs_hint = false} : vector<6400x8xf32>, vector<8x32xf32>, vector<6400x32xf32> -> vector<6400x32xf32>
    %get3A_6 = arith.constant 0 : index
    %get3A_7 = arith.constant 0 : index
    %get3A_8 = vector.load %arg3[%get3A_6, %get3A_7] : memref<1x32xf32, #tpu.memory_space<vmem>>, vector<1x32xf32>
    %add3A = vector.broadcast %get3A_8 : vector<1x32xf32> to vector<6400x32xf32>
    %add3A_9 = arith.addf %dot_general3A_5, %add3A : vector<6400x32xf32>
    %tanh3A = math.tanh %add3A_9 : vector<6400x32xf32>
    %get3A_10 = arith.constant 0 : index
    %get3A_11 = arith.constant 0 : index
    %get3A_12 = vector.load %arg4[%get3A_10, %get3A_11] : memref<32x32xf32, #tpu.memory_space<vmem>>, vector<32x32xf32>
    %dot_general3A_13 = arith.constant dense<0.000000e+00> : vector<6400x32xf32>
    %dot_general3A_14 = tpu.matmul %tanh3A, %get3A_12, %dot_general3A_13 {dimension_numbers = #tpu.dot_dimension_numbers<[1], [0], [0], [1], [0, 0, 1, 1], [], []>, transpose_lhs_hint = false} : vector<6400x32xf32>, vector<32x32xf32>, vector<6400x32xf32> -> vector<6400x32xf32>
    %get3A_15 = arith.constant 0 : index
    %get3A_16 = arith.constant 0 : index
    %get3A_17 = vector.load %arg5[%get3A_15, %get3A_16] : memref<1x32xf32, #tpu.memory_space<vmem>>, vector<1x32xf32>
    %add3A_18 = vector.broadcast %get3A_17 : vector<1x32xf32> to vector<6400x32xf32>
    %add3A_19 = arith.addf %dot_general3A_14, %add3A_18 : vector<6400x32xf32>
    %custom_jvp_call3A = arith.constant 0.000000e+00 : f32
    %max3A = vector.broadcast %custom_jvp_call3A : f32 to vector<6400x32xf32>
    %max3A_20 = arith.maximumf %add3A_19, %max3A : vector<6400x32xf32>
    %sub3A = vector.broadcast %custom_jvp_call3A : f32 to vector<6400x32xf32>
    %sub3A_21 = arith.subf %add3A_19, %sub3A : vector<6400x32xf32>
    %ne3A = arith.cmpf one, %sub3A_21, %sub3A_21 : vector<6400x32xf32>
    %add3A_22 = vector.broadcast %custom_jvp_call3A : f32 to vector<6400x32xf32>
    %add3A_23 = arith.addf %add3A_19, %add3A_22 : vector<6400x32xf32>
    %abs3A = math.absf %sub3A_21 : vector<6400x32xf32>
    %neg3A = arith.constant 0.000000e+00 : f32
    %neg3A_24 = vector.broadcast %neg3A : f32 to vector<6400x32xf32>
    %neg3A_25 = arith.subf %neg3A_24, %abs3A : vector<6400x32xf32>
    %exp3A = math.exp %neg3A_25 : vector<6400x32xf32>
    %log1p3A = math.log1p %exp3A : vector<6400x32xf32>
    %add3A_26 = arith.addf %max3A_20, %log1p3A : vector<6400x32xf32>
    %select_n3A = arith.select %ne3A, %add3A_23, %add3A_26 : vector<6400x32xi1>, vector<6400x32xf32>
    %log3A = arith.constant 2.000000e+00 : f32
    %log3A_27 = math.log %log3A : f32
    %sub3A_28 = vector.broadcast %log3A_27 : f32 to vector<6400x32xf32>
    %sub3A_29 = arith.subf %select_n3A, %sub3A_28 : vector<6400x32xf32>
    %get3A_30 = arith.constant 0 : index
    %get3A_31 = arith.constant 0 : index
    %get3A_32 = vector.load %arg6[%get3A_30, %get3A_31] : memref<32x32xf32, #tpu.memory_space<vmem>>, vector<32x32xf32>
    %dot_general3A_33 = arith.constant dense<0.000000e+00> : vector<6400x32xf32>
    %dot_general3A_34 = tpu.matmul %sub3A_29, %get3A_32, %dot_general3A_33 {dimension_numbers = #tpu.dot_dimension_numbers<[1], [0], [0], [1], [0, 0, 1, 1], [], []>, transpose_lhs_hint = false} : vector<6400x32xf32>, vector<32x32xf32>, vector<6400x32xf32> -> vector<6400x32xf32>
    %get3A_35 = arith.constant 0 : index
    %get3A_36 = arith.constant 0 : index
    %get3A_37 = vector.load %arg7[%get3A_35, %get3A_36] : memref<1x32xf32, #tpu.memory_space<vmem>>, vector<1x32xf32>
    %add3A_38 = vector.broadcast %get3A_37 : vector<1x32xf32> to vector<6400x32xf32>
    %add3A_39 = arith.addf %dot_general3A_34, %add3A_38 : vector<6400x32xf32>
    %custom_jvp_call3A_40 = arith.constant 0.000000e+00 : f32
    %max3A_41 = vector.broadcast %custom_jvp_call3A_40 : f32 to vector<6400x32xf32>
    %max3A_42 = arith.maximumf %add3A_39, %max3A_41 : vector<6400x32xf32>
    %sub3A_43 = vector.broadcast %custom_jvp_call3A_40 : f32 to vector<6400x32xf32>
    %sub3A_44 = arith.subf %add3A_39, %sub3A_43 : vector<6400x32xf32>
    %ne3A_45 = arith.cmpf one, %sub3A_44, %sub3A_44 : vector<6400x32xf32>
    %add3A_46 = vector.broadcast %custom_jvp_call3A_40 : f32 to vector<6400x32xf32>
    %add3A_47 = arith.addf %add3A_39, %add3A_46 : vector<6400x32xf32>
    %abs3A_48 = math.absf %sub3A_44 : vector<6400x32xf32>
    %neg3A_49 = arith.constant 0.000000e+00 : f32
    %neg3A_50 = vector.broadcast %neg3A_49 : f32 to vector<6400x32xf32>
    %neg3A_51 = arith.subf %neg3A_50, %abs3A_48 : vector<6400x32xf32>
    %exp3A_52 = math.exp %neg3A_51 : vector<6400x32xf32>
    %log1p3A_53 = math.log1p %exp3A_52 : vector<6400x32xf32>
    %add3A_54 = arith.addf %max3A_42, %log1p3A_53 : vector<6400x32xf32>
    %select_n3A_55 = arith.select %ne3A_45, %add3A_47, %add3A_54 : vector<6400x32xi1>, vector<6400x32xf32>
    %log3A_56 = arith.constant 2.000000e+00 : f32
    %log3A_57 = math.log %log3A_56 : f32
    %sub3A_58 = vector.broadcast %log3A_57 : f32 to vector<6400x32xf32>
    %sub3A_59 = arith.subf %select_n3A_55, %sub3A_58 : vector<6400x32xf32>
    %swap3A = arith.constant 0 : index
    %swap3A_60 = arith.constant 0 : index
    %swap3A_61 = vector.load %arg8[%swap3A, %swap3A_60] : memref<6400x32xf32, #tpu.memory_space<vmem>>, vector<6400x32xf32>
    tpu.vector_store %arg8[%swap3A, %swap3A_60], %sub3A_59 {strides = array<i32>} : memref<6400x32xf32, #tpu.memory_space<vmem>>, vector<6400x32xf32>,
    return
  }
  func.func @transform_0(%arg0: i32) -> (i32, i32) {
    %c0_i32 = arith.constant 0 : i32
    %c0_i32_0 = arith.constant 0 : i32
    return %arg0, %c0_i32 : i32, i32
  }
  func.func @transform_1(%arg0: i32) -> (i32, i32) {
    %c0_i32 = arith.constant 0 : i32
    %c0_i32_0 = arith.constant 0 : i32
    %c0_i32_1 = arith.constant 0 : i32
    return %c0_i32, %c0_i32_0 : i32, i32
  }
  func.func @transform_2(%arg0: i32) -> (i32, i32) {
    %c0_i32 = arith.constant 0 : i32
    %c0_i32_0 = arith.constant 0 : i32
    %c0_i32_1 = arith.constant 0 : i32
    return %c0_i32, %c0_i32_0 : i32, i32
  }
  func.func @transform_3(%arg0: i32) -> (i32, i32) {
    %c0_i32 = arith.constant 0 : i32
    %c0_i32_0 = arith.constant 0 : i32
    %c0_i32_1 = arith.constant 0 : i32
    return %c0_i32, %c0_i32_0 : i32, i32
  }
  func.func @transform_4(%arg0: i32) -> (i32, i32) {
    %c0_i32 = arith.constant 0 : i32
    %c0_i32_0 = arith.constant 0 : i32
    %c0_i32_1 = arith.constant 0 : i32
    return %c0_i32, %c0_i32_0 : i32, i32
  }
  func.func @transform_5(%arg0: i32) -> (i32, i32) {
    %c0_i32 = arith.constant 0 : i32
    %c0_i32_0 = arith.constant 0 : i32
    %c0_i32_1 = arith.constant 0 : i32
    return %c0_i32, %c0_i32_0 : i32, i32
  }
  func.func @transform_6(%arg0: i32) -> (i32, i32) {
    %c0_i32 = arith.constant 0 : i32
    %c0_i32_0 = arith.constant 0 : i32
    %c0_i32_1 = arith.constant 0 : i32
    return %c0_i32, %c0_i32_0 : i32, i32
  }
  func.func @transform_7(%arg0: i32) -> (i32, i32) {
    %c0_i32 = arith.constant 0 : i32
    %c0_i32_0 = arith.constant 0 : i32
    return %arg0, %c0_i32 : i32, i32
  }
}

module attributes {stable_mosaic.version = 14 : i64} {
  func.func @_hv_body(%arg0: i32, %arg1: memref<4000x16xf32, #tpu.memory_space<vmem>>, %arg2: memref<16x32xf32, #tpu.memory_space<vmem>>, %arg3: memref<1x32xf32, #tpu.memory_space<vmem>>, %arg4: memref<32x32xf32, #tpu.memory_space<vmem>>, %arg5: memref<1x32xf32, #tpu.memory_space<vmem>>, %arg6: memref<4000x32xf32, #tpu.memory_space<vmem>>) attributes {dimension_semantics = [#tpu.dimension_semantics<arbitrary>], iteration_bounds = array<i64: 25>, scalar_prefetch = 0 : i64, scratch_operands = 0 : i64, tpu.core_type = #tpu.core_type<tc>, window_params = [{transform_indices = @transform_0, window_bounds = array<i64: 4000, 16>}, {pipeline_mode = #tpu.pipeline_mode<synchronous>, transform_indices = @transform_1, window_bounds = array<i64: 16, 32>}, {pipeline_mode = #tpu.pipeline_mode<synchronous>, transform_indices = @transform_2, window_bounds = array<i64: 1, 32>}, {pipeline_mode = #tpu.pipeline_mode<synchronous>, transform_indices = @transform_3, window_bounds = array<i64: 32, 32>}, {pipeline_mode = #tpu.pipeline_mode<synchronous>, transform_indices = @transform_4, window_bounds = array<i64: 1, 32>}, {transform_indices = @transform_5, window_bounds = array<i64: 4000, 32>}]} {
    %get3A = arith.constant 0 : index
    %get3A_0 = arith.constant 0 : index
    %get3A_1 = vector.load %arg1[%get3A, %get3A_0] : memref<4000x16xf32, #tpu.memory_space<vmem>>, vector<4000x16xf32>
    %get3A_2 = arith.constant 0 : index
    %get3A_3 = arith.constant 0 : index
    %get3A_4 = vector.load %arg2[%get3A_2, %get3A_3] : memref<16x32xf32, #tpu.memory_space<vmem>>, vector<16x32xf32>
    %dot_general3A = arith.constant dense<0.000000e+00> : vector<4000x32xf32>
    %dot_general3A_5 = tpu.matmul %get3A_1, %get3A_4, %dot_general3A {dimension_numbers = #tpu.dot_dimension_numbers<[1], [0], [0], [1], [0, 0, 1, 1], [], []>, transpose_lhs_hint = false} : vector<4000x16xf32>, vector<16x32xf32>, vector<4000x32xf32> -> vector<4000x32xf32>
    %get3A_6 = arith.constant 0 : index
    %get3A_7 = arith.constant 0 : index
    %get3A_8 = vector.load %arg3[%get3A_6, %get3A_7] : memref<1x32xf32, #tpu.memory_space<vmem>>, vector<1x32xf32>
    %add3A = vector.broadcast %get3A_8 : vector<1x32xf32> to vector<4000x32xf32>
    %add3A_9 = arith.addf %dot_general3A_5, %add3A : vector<4000x32xf32>
    %tanh3A = math.tanh %add3A_9 : vector<4000x32xf32>
    %get3A_10 = arith.constant 0 : index
    %get3A_11 = arith.constant 0 : index
    %get3A_12 = vector.load %arg4[%get3A_10, %get3A_11] : memref<32x32xf32, #tpu.memory_space<vmem>>, vector<32x32xf32>
    %dot_general3A_13 = arith.constant dense<0.000000e+00> : vector<4000x32xf32>
    %dot_general3A_14 = tpu.matmul %tanh3A, %get3A_12, %dot_general3A_13 {dimension_numbers = #tpu.dot_dimension_numbers<[1], [0], [0], [1], [0, 0, 1, 1], [], []>, transpose_lhs_hint = false} : vector<4000x32xf32>, vector<32x32xf32>, vector<4000x32xf32> -> vector<4000x32xf32>
    %get3A_15 = arith.constant 0 : index
    %get3A_16 = arith.constant 0 : index
    %get3A_17 = vector.load %arg5[%get3A_15, %get3A_16] : memref<1x32xf32, #tpu.memory_space<vmem>>, vector<1x32xf32>
    %add3A_18 = vector.broadcast %get3A_17 : vector<1x32xf32> to vector<4000x32xf32>
    %add3A_19 = arith.addf %dot_general3A_14, %add3A_18 : vector<4000x32xf32>
    %swap3A = arith.constant 0 : index
    %swap3A_20 = arith.constant 0 : index
    %swap3A_21 = vector.load %arg6[%swap3A, %swap3A_20] : memref<4000x32xf32, #tpu.memory_space<vmem>>, vector<4000x32xf32>
    tpu.vector_store %arg6[%swap3A, %swap3A_20], %add3A_19 {strides = array<i32>} : memref<4000x32xf32, #tpu.memory_space<vmem>>, vector<4000x32xf32>,
    return
  }
  func.func @transform_0(%arg0: i32) -> (i32, i32) {
    %c0_i32 = arith.constant 0 : i32
    %c0_i32_0 = arith.constant 0 : i32
    return %arg0, %c0_i32 : i32, i32
  }
  func.func @transform_1(%arg0: i32) -> (i32, i32) {
    %c0_i32 = arith.constant 0 : i32
    %c0_i32_0 = arith.constant 0 : i32
    %c0_i32_1 = arith.constant 0 : i32
    return %c0_i32, %c0_i32_0 : i32, i32
  }
  func.func @transform_2(%arg0: i32) -> (i32, i32) {
    %c0_i32 = arith.constant 0 : i32
    %c0_i32_0 = arith.constant 0 : i32
    %c0_i32_1 = arith.constant 0 : i32
    return %c0_i32, %c0_i32_0 : i32, i32
  }
  func.func @transform_3(%arg0: i32) -> (i32, i32) {
    %c0_i32 = arith.constant 0 : i32
    %c0_i32_0 = arith.constant 0 : i32
    %c0_i32_1 = arith.constant 0 : i32
    return %c0_i32, %c0_i32_0 : i32, i32
  }
  func.func @transform_4(%arg0: i32) -> (i32, i32) {
    %c0_i32 = arith.constant 0 : i32
    %c0_i32_0 = arith.constant 0 : i32
    %c0_i32_1 = arith.constant 0 : i32
    return %c0_i32, %c0_i32_0 : i32, i32
  }
  func.func @transform_5(%arg0: i32) -> (i32, i32) {
    %c0_i32 = arith.constant 0 : i32
    %c0_i32_0 = arith.constant 0 : i32
    return %arg0, %c0_i32 : i32, i32
  }
}

module attributes {stable_mosaic.version = 14 : i64} {
  func.func @_ro_body(%arg0: i32, %arg1: memref<4000x32xf32, #tpu.memory_space<vmem>>, %arg2: memref<32x32xf32, #tpu.memory_space<vmem>>, %arg3: memref<1x32xf32, #tpu.memory_space<vmem>>, %arg4: memref<32x16xf32, #tpu.memory_space<vmem>>, %arg5: memref<32x16xf32, #tpu.memory_space<vmem>>, %arg6: memref<1x16xf32, #tpu.memory_space<vmem>>, %arg7: memref<4000x16xf32, #tpu.memory_space<vmem>>, %arg8: memref<4000x16xf32, #tpu.memory_space<vmem>>) attributes {dimension_semantics = [#tpu.dimension_semantics<arbitrary>], iteration_bounds = array<i64: 25>, scalar_prefetch = 0 : i64, scratch_operands = 0 : i64, tpu.core_type = #tpu.core_type<tc>, window_params = [{transform_indices = @transform_0, window_bounds = array<i64: 4000, 32>}, {pipeline_mode = #tpu.pipeline_mode<synchronous>, transform_indices = @transform_1, window_bounds = array<i64: 32, 32>}, {pipeline_mode = #tpu.pipeline_mode<synchronous>, transform_indices = @transform_2, window_bounds = array<i64: 1, 32>}, {pipeline_mode = #tpu.pipeline_mode<synchronous>, transform_indices = @transform_3, window_bounds = array<i64: 32, 16>}, {pipeline_mode = #tpu.pipeline_mode<synchronous>, transform_indices = @transform_4, window_bounds = array<i64: 32, 16>}, {pipeline_mode = #tpu.pipeline_mode<synchronous>, transform_indices = @transform_5, window_bounds = array<i64: 1, 16>}, {transform_indices = @transform_6, window_bounds = array<i64: 4000, 16>}, {transform_indices = @transform_7, window_bounds = array<i64: 4000, 16>}]} {
    %get3A = arith.constant 0 : index
    %get3A_0 = arith.constant 0 : index
    %get3A_1 = vector.load %arg1[%get3A, %get3A_0] : memref<4000x32xf32, #tpu.memory_space<vmem>>, vector<4000x32xf32>
    %get3A_2 = arith.constant 0 : index
    %get3A_3 = arith.constant 0 : index
    %get3A_4 = vector.load %arg2[%get3A_2, %get3A_3] : memref<32x32xf32, #tpu.memory_space<vmem>>, vector<32x32xf32>
    %dot_general3A = arith.constant dense<0.000000e+00> : vector<4000x32xf32>
    %dot_general3A_5 = tpu.matmul %get3A_1, %get3A_4, %dot_general3A {dimension_numbers = #tpu.dot_dimension_numbers<[1], [0], [0], [1], [0, 0, 1, 1], [], []>, transpose_lhs_hint = false} : vector<4000x32xf32>, vector<32x32xf32>, vector<4000x32xf32> -> vector<4000x32xf32>
    %get3A_6 = arith.constant 0 : index
    %get3A_7 = arith.constant 0 : index
    %get3A_8 = vector.load %arg3[%get3A_6, %get3A_7] : memref<1x32xf32, #tpu.memory_space<vmem>>, vector<1x32xf32>
    %add3A = vector.broadcast %get3A_8 : vector<1x32xf32> to vector<4000x32xf32>
    %add3A_9 = arith.addf %dot_general3A_5, %add3A : vector<4000x32xf32>
    %custom_jvp_call3A = arith.constant 0.000000e+00 : f32
    %max3A = vector.broadcast %custom_jvp_call3A : f32 to vector<4000x32xf32>
    %max3A_10 = arith.maximumf %add3A_9, %max3A : vector<4000x32xf32>
    %sub3A = vector.broadcast %custom_jvp_call3A : f32 to vector<4000x32xf32>
    %sub3A_11 = arith.subf %add3A_9, %sub3A : vector<4000x32xf32>
    %ne3A = arith.cmpf one, %sub3A_11, %sub3A_11 : vector<4000x32xf32>
    %add3A_12 = vector.broadcast %custom_jvp_call3A : f32 to vector<4000x32xf32>
    %add3A_13 = arith.addf %add3A_9, %add3A_12 : vector<4000x32xf32>
    %abs3A = math.absf %sub3A_11 : vector<4000x32xf32>
    %neg3A = arith.constant 0.000000e+00 : f32
    %neg3A_14 = vector.broadcast %neg3A : f32 to vector<4000x32xf32>
    %neg3A_15 = arith.subf %neg3A_14, %abs3A : vector<4000x32xf32>
    %exp3A = math.exp %neg3A_15 : vector<4000x32xf32>
    %log1p3A = math.log1p %exp3A : vector<4000x32xf32>
    %add3A_16 = arith.addf %max3A_10, %log1p3A : vector<4000x32xf32>
    %select_n3A = arith.select %ne3A, %add3A_13, %add3A_16 : vector<4000x32xi1>, vector<4000x32xf32>
    %log3A = arith.constant 2.000000e+00 : f32
    %log3A_17 = math.log %log3A : f32
    %sub3A_18 = vector.broadcast %log3A_17 : f32 to vector<4000x32xf32>
    %sub3A_19 = arith.subf %select_n3A, %sub3A_18 : vector<4000x32xf32>
    %get3A_20 = arith.constant 0 : index
    %get3A_21 = arith.constant 0 : index
    %get3A_22 = vector.load %arg4[%get3A_20, %get3A_21] : memref<32x16xf32, #tpu.memory_space<vmem>>, vector<32x16xf32>
    %dot_general3A_23 = arith.constant dense<0.000000e+00> : vector<4000x16xf32>
    %dot_general3A_24 = tpu.matmul %sub3A_19, %get3A_22, %dot_general3A_23 {dimension_numbers = #tpu.dot_dimension_numbers<[1], [0], [0], [1], [0, 0, 1, 1], [], []>, transpose_lhs_hint = false} : vector<4000x32xf32>, vector<32x16xf32>, vector<4000x16xf32> -> vector<4000x16xf32>
    %get3A_25 = arith.constant 0 : index
    %get3A_26 = arith.constant 0 : index
    %get3A_27 = vector.load %arg6[%get3A_25, %get3A_26] : memref<1x16xf32, #tpu.memory_space<vmem>>, vector<1x16xf32>
    %add3A_28 = vector.broadcast %get3A_27 : vector<1x16xf32> to vector<4000x16xf32>
    %add3A_29 = arith.addf %dot_general3A_24, %add3A_28 : vector<4000x16xf32>
    %swap3A = arith.constant 0 : index
    %swap3A_30 = arith.constant 0 : index
    %swap3A_31 = vector.load %arg7[%swap3A, %swap3A_30] : memref<4000x16xf32, #tpu.memory_space<vmem>>, vector<4000x16xf32>
    tpu.vector_store %arg7[%swap3A, %swap3A_30], %add3A_29 {strides = array<i32>} : memref<4000x16xf32, #tpu.memory_space<vmem>>, vector<4000x16xf32>,
    %get3A_32 = arith.constant 0 : index
    %get3A_33 = arith.constant 0 : index
    %get3A_34 = vector.load %arg5[%get3A_32, %get3A_33] : memref<32x16xf32, #tpu.memory_space<vmem>>, vector<32x16xf32>
    %dot_general3A_35 = arith.constant dense<0.000000e+00> : vector<4000x16xf32>
    %dot_general3A_36 = tpu.matmul %sub3A_19, %get3A_34, %dot_general3A_35 {dimension_numbers = #tpu.dot_dimension_numbers<[1], [0], [0], [1], [0, 0, 1, 1], [], []>, transpose_lhs_hint = false} : vector<4000x32xf32>, vector<32x16xf32>, vector<4000x16xf32> -> vector<4000x16xf32>
    %swap3A_37 = arith.constant 0 : index
    %swap3A_38 = arith.constant 0 : index
    %swap3A_39 = vector.load %arg8[%swap3A_37, %swap3A_38] : memref<4000x16xf32, #tpu.memory_space<vmem>>, vector<4000x16xf32>
    tpu.vector_store %arg8[%swap3A_37, %swap3A_38], %dot_general3A_36 {strides = array<i32>} : memref<4000x16xf32, #tpu.memory_space<vmem>>, vector<4000x16xf32>,
    return
  }
  func.func @transform_0(%arg0: i32) -> (i32, i32) {
    %c0_i32 = arith.constant 0 : i32
    %c0_i32_0 = arith.constant 0 : i32
    return %arg0, %c0_i32 : i32, i32
  }
  func.func @transform_1(%arg0: i32) -> (i32, i32) {
    %c0_i32 = arith.constant 0 : i32
    %c0_i32_0 = arith.constant 0 : i32
    %c0_i32_1 = arith.constant 0 : i32
    return %c0_i32, %c0_i32_0 : i32, i32
  }
  func.func @transform_2(%arg0: i32) -> (i32, i32) {
    %c0_i32 = arith.constant 0 : i32
    %c0_i32_0 = arith.constant 0 : i32
    %c0_i32_1 = arith.constant 0 : i32
    return %c0_i32, %c0_i32_0 : i32, i32
  }
  func.func @transform_3(%arg0: i32) -> (i32, i32) {
    %c0_i32 = arith.constant 0 : i32
    %c0_i32_0 = arith.constant 0 : i32
    %c0_i32_1 = arith.constant 0 : i32
    return %c0_i32, %c0_i32_0 : i32, i32
  }
  func.func @transform_4(%arg0: i32) -> (i32, i32) {
    %c0_i32 = arith.constant 0 : i32
    %c0_i32_0 = arith.constant 0 : i32
    %c0_i32_1 = arith.constant 0 : i32
    return %c0_i32, %c0_i32_0 : i32, i32
  }
  func.func @transform_5(%arg0: i32) -> (i32, i32) {
    %c0_i32 = arith.constant 0 : i32
    %c0_i32_0 = arith.constant 0 : i32
    %c0_i32_1 = arith.constant 0 : i32
    return %c0_i32, %c0_i32_0 : i32, i32
  }
  func.func @transform_6(%arg0: i32) -> (i32, i32) {
    %c0_i32 = arith.constant 0 : i32
    %c0_i32_0 = arith.constant 0 : i32
    return %arg0, %c0_i32 : i32, i32
  }
  func.func @transform_7(%arg0: i32) -> (i32, i32) {
    %c0_i32 = arith.constant 0 : i32
    %c0_i32_0 = arith.constant 0 : i32
    return %arg0, %c0_i32 : i32, i32
  }
}

</mosaic_0001>

<sc_bundles>
// kernel: kernel.10.cloned.1.call-start
scs
__scs_entry_jumppad:
0x0: {  	(pc) =	sbr.rel $0x88, $3  }
0x1: {  	(tag) =	ssettag $0x0;
	lr =	simm.s32 $0x1  }
0x2: {  	[smem:$0x3F8B] =	sst lr;
	_ =	strace $0xD0000000  }
0x3: {  	_ = 	snop  }
0x4: {  	_ = 	snop  }
0x5: {  	_ = 	snop  }
0x6: {  	_ = 	snop  }
0x7: {  	_ = 	snop  }
__scs_overlays_trampoline_lowered:
0x8: {  	[smem:$0x3F9A] =	sst s0  }
0x9: {  	[smem:$0x3F9B] =	sst s1  }
0xa: {  	[smem:$0x3F9C] =	sst s2  }
0xb: {  	[smem:$0x3F9D] =	sst s3  }
0xc: {  	[smem:$0x3F9E] =	sst s4  }
0xd: {  	[smem:$0x3F9F] =	sst s5  }
0xe: {  	[smem:$0x3FA0] =	sst s6  }
0xf: {  	[smem:$0x3FA1] =	sst s7  }
0x10: {  	[smem:$0x3FA2] =	sst s8  }
0x11: {  	[smem:$0x3FA3] =	sst s9;
	s0 =	simm.s32 @!p0 $0x0  }
0x12: {  	s1 =	sld [smem:$0x3F89];
	s0 =	simm.s32 @p0 $0x1  }
0x13: {  	[smem:$0x3FA4] =	sst s0;
	s0 =	simm.s32 @!p1 $0x0  }
0x14: {  	s2 =	sld [smem:$0x3F88];
	s0 =	simm.s32 @p1 $0x1  }
0x15: {  	[smem:$0x3FA5] =	sst s0;
	s0 =	simm.s32 @!p2 $0x0  }
0x16: {  	s3 =	sld [smem:$0x3FDB];
	s0 =	simm.s32 @p2 $0x1  }
0x17: {  	s4 =	simm.s32 $0x1BF5;
	[smem:$0x3FA7] =	sst s0  }
0x18: {  	s0 =	sld [smem:$0x3F8A];
	_ =	swait.ge [sflag:s4], $0x0  }
0x19: {  	s7 =	sld [smem:$0x3F8B]  }
0x1a: {  	s8 =	sadd.s32 $0xFFFFE003, lr  }
0x1b: {  	s9 =	sadd.s32 $0xFFFFFEF7, lr;
	s5 =	simm.s32 $0xFFFFFFFF;
	p2 =	slt.u32 s8, $0xFFFFF086  }
0x1c: {  	p1 =	slt.u32 s9, $0xF7A;
	s5 =	simm.s32 @!p2 $0x0  }
0x1d: {  	s5 =	simm.s32 @p1 $0x1;
	p0 =	seq.s32 s7, s2  }
0x1e: {  	s7 =	smul.u32 @!p0 $0xF7A, s2;
	p2 =	seq.s32 @!p0 s5, $0x0  }
0x1f: {  	s9 =	smul.u32 $0xF7A, s1;
	s8 =	simm.s32 @!p0 $0x1BF5;
	p2 =	por !p2, p0  }
0x20: {  	[sflag:s8] =	ssyncset.s32 @!p0 $0xFFFFF086;
	s6 =	sadd.s32 @!p0 s3, s7;
	s7 =	simm.s32 @!p0 $0x108  }
0x21: {  	s3 =	sadd.s32 s3, s9;
	s6 =	sadd.s32 @!p0 $0x88, s6;
	s7 =	simm.s32 @p2 $0x1082  }
0x22: {  	[simem:s7], [sflag:s8] =	dma.local @!p0 [hbm:s6], $0xF7A  }
0x23: {  	s9 =	sor.u32 $0xD0000000, s2;
	s6 =	simm.s32 $0x108;
	_ =	swait.ge @!p0 [sflag:s8], $0x0  }
0x24: {  	s3 =	sadd.s32 $0x88, s3;
	s6 =	simm.s32 @!p1 $0x1082;
	[sflag:s4] =	ssyncset.s32 $0xFFFFF086  }
0x25: {  	[simem:s6], [sflag:s4] =	dma.local [hbm:s3], $0xF7A  }
0x26: {  	[smem:$0x3F8B] =	sst s1;
	(tag) =	ssettag s2;
	_ =	strace s9  }
0x27: {  	s1 =	sld [smem:$0x3F9B]  }
0x28: {  	s2 =	sld [smem:$0x3F9C]  }
0x29: {  	s4 =	sld [smem:$0x3F9E]  }
0x2a: {  	p0 =	seq.s32 s5, $0x0;
	s5 =	sld [smem:$0x3F9F]  }
0x2b: {  	s6 =	sld [smem:$0x3FA0]  }
0x2c: {  	s7 =	sld [smem:$0x3FA1]  }
0x2d: {  	s3 =	simm.s32 $0x108;
	s8 =	sld [smem:$0x3FA2]  }
0x2e: {  	s3 =	simm.s32 @!p0 $0x1082;
	s9 =	sld [smem:$0x3FA3]  }
0x2f: {  	lr =	sadd.s32 s0, s3;
	s0 =	sld [smem:$0x3F9A]  }
0x30: {  	s3 =	sld [smem:$0x3F9D]  }
0x31: {  	[smem:$0x3FA6] =	sst s10  }
0x32: {  	s10 =	sld [smem:$0x3FA4];
	_ =	sdelay $0x3  }
0x33: {  	p0 =	seq.s32 s10, $0x1;
	s10 =	sld [smem:$0x3FA6];
	_ =	sdelay $0x3  }
0x34: {  	[smem:$0x3FA6] =	sst s10  }
0x35: {  	s10 =	sld [smem:$0x3FA5];
	_ =	sdelay $0x3  }
0x36: {  	p1 =	seq.s32 s10, $0x1;
	s10 =	sld [smem:$0x3FA6];
	_ =	sdelay $0x3  }
0x37: {  	[smem:$0x3FA6] =	sst s10  }
0x38: {  	s10 =	sld [smem:$0x3FA7]  }
0x39: {  	_ = 	snop;
	(pc) =	sbr.ind lr, $3  }
0x3a: {  	_ = 	snop  }
0x3b: {  	_ = 	snop  }
0x3c: {  	p2 =	seq.s32 s10, $0x1;
	s10 =	sld [smem:$0x3FA6]  }
0x3d: {  	_ =	shalt  }
0x3e: {  	_ =	shalt  }
0x3f: {  	_ =	shalt  }
0x40: {  	_ =	shalt  }
0x41: {  	_ =	shalt  }
0x42: {  	_ =	shalt  }
0x43: {  	_ =	shalt  }
0x44: {  	_ =	shalt  }
0x45: {  	_ =	shalt  }
0x46: {  	_ =	shalt  }
0x47: {  	_ =	shalt  }
0x48: {  	_ =	shalt  }
0x49: {  	_ =	shalt  }
0x4a: {  	_ =	shalt  }
0x4b: {  	_ =	shalt  }
0x4c: {  	_ =	shalt  }
0x4d: {  	_ =	shalt  }
0x4e: {  	_ =	shalt  }
0x4f: {  	_ =	shalt  }
0x50: {  	_ =	shalt  }
0x51: {  	_ =	shalt  }
0x52: {  	_ =	shalt  }
0x53: {  	_ =	shalt  }
0x54: {  	_ =	shalt  }
0x55: {  	_ =	shalt  }
0x56: {  	_ =	shalt  }
0x57: {  	_ =	shalt  }
0x58: {  	_ =	shalt  }
0x59: {  	_ =	shalt  }
0x5a: {  	_ =	shalt  }
0x5b: {  	_ =	shalt  }
0x5c: {  	_ =	shalt  }
0x5d: {  	_ =	shalt  }
0x5e: {  	_ =	shalt  }
0x5f: {  	_ =	shalt  }
0x60: {  	_ =	shalt  }
0x61: {  	_ =	shalt  }
0x62: {  	_ =	shalt  }
0x63: {  	_ =	shalt  }
0x64: {  	_ =	shalt  }
0x65: {  	_ =	shalt  }
0x66: {  	_ =	shalt  }
0x67: {  	_ =	shalt  }
0x68: {  	_ =	shalt  }
0x69: {  	_ =	shalt  }
0x6a: {  	_ =	shalt  }
0x6b: {  	_ =	shalt  }
0x6c: {  	_ =	shalt  }
0x6d: {  	_ =	shalt  }
0x6e: {  	_ =	shalt  }
0x6f: {  	_ =	shalt  }
0x70: {  	_ =	shalt  }
0x71: {  	_ =	shalt  }
0x72: {  	_ =	shalt  }
0x73: {  	_ =	shalt  }
0x74: {  	_ =	shalt  }
0x75: {  	_ =	shalt  }
0x76: {  	_ =	shalt  }
0x77: {  	_ =	shalt  }
0x78: {  	_ =	shalt  }
0x79: {  	_ =	shalt  }
0x7a: {  	_ =	shalt  }
0x7b: {  	_ =	shalt  }
0x7c: {  	_ =	shalt  }
0x7d: {  	_ =	shalt  }
0x7e: {  	_ =	shalt  }
0x7f: {  	_ =	shalt  }
0x80: {  	_ =	shalt  }
0x81: {  	_ =	shalt  }
0x82: {  	_ =	shalt  }
0x83: {  	_ =	shalt  }
0x84: {  	_ =	shalt  }
0x85: {  	_ =	shalt  }
0x86: {  	_ =	shalt  }
0x87: {  	_ =	shalt  }
.Lfunc_end0:
.L_simem_size_0:
called_computation.1_lowered:
.L_overlay_start_0:
0x88: {  	s2 =	sld [smem:$0x3FD9]  }
0x89: {  	s3 =	sld [smem:$0x3FFE];
	_ =	sdelay $0x1  }
0x8a: {  	s1 =	srdreg.scid  }
0x8b: {  	s0 =	sand.u32 $0x1, s1  }
0x8c: {  	s14 =	sshll.u32 s0, $0xA;
	s2 =	sadd.s32 s3, s2  }
0x8d: {  	s2 =	sadd.s32 s2, s14  }
0x8e: {  	[smem:$0x3FB2] =	sst s2  }
0x8f: {  	_ = 	snop  }
0x90: {  	s2 =	sld [smem:$0x3FD0];
	_ =	sdelay $0x1  }
0x91: {  	s15 =	sld [smem:$0x3FC5]  }
0x92: {  	s5 =	simm.s32 $0xA;
	s6 =	simm.s32 $0x10;
	s4 =	sld [smem:$0x3FC4]  }
0x93: {  	[smem:s6], [sflag:s5] =	dma.local [hbm:s2], $0x1  }
0x94: {  	_ =	swait.eq [sflag:s5], $0x1  }
0x95: {  	[sflag:s5] =	ssyncset.done $0x0  }
0x96: {  	s16 =	sld [smem:$0x10];
	[sflag:s5] =	ssyncadd.s32 $0xFFFFFFFF  }
0x97: {  	s17 =	sld [smem:$0x11];
	(tm) =	ssettm $0x1  }
0x98: {  	s18 =	sld [smem:$0x3FFB];
	_ =	sdelay $0x3  }
0x99: {  	_ =	strace s18  }
0x9a: {  	s6 =	sld [smem:$0x3FFC];
	_ =	sdelay $0x3  }
0x9b: {  	_ =	strace s6  }
0x9c: {  	s6 =	sld [smem:$0x3FFD];
	_ =	sdelay $0x3  }
0x9d: {  	_ =	strace s6  }
0x9e: {  	_ =	strace $0x8FFFFFFF  }
0x9f: {  	s19 =	sld [smem:$0x3FDB];
	_ =	sdelay $0x1  }
0xa0: {  	s7 =	simm.s32 $_scs_section_size  }
0xa1: {  	s8 =	simm.s32 $_size__tile_overlayer_lowered;
	s9 =	simm.s32 $_tile_overlayer_lowered  }
0xa2: {  	s22 =	simm.s32 $0x1BFF;
	s21 =	sshll.u32 s9, $0x1;
	s6 =	sadd.s32 s7, s19  }
0xa3: {  	s10 =	simm.s32 $0x0;
	s20 =	sshll.u32 s8, $0x1;
	s8 =	sadd.s32 s21, s6  }
0xa4: {  	[timem:s10], [sflag:s22] =	dma.local [hbm:s8], s20  }
0xa5: {  	_ =	swait.ge [sflag:s22], s20  }
0xa6: {  	s7 =	ssub.s32 $0x0, s20;
	[sflag:s22] =	ssyncset.done $0x0  }
0xa7: {  	[sflag:s22] =	ssyncadd.s32 s7;
	_ =	sdelay $0x1  }
0xa8: {  	s23 =	simm.s32 $0x1B8B  }
0xa9: {  	_ =	swait.ge [sflag:s23], $0x1  }
0xaa: {  	[sflag:s23] =	ssyncset.done $0x0  }
0xab: {  	s25 =	simm.s32 $0x1B8E;
	s24 =	sld [smem:$0x3FFE];
	[sflag:s23] =	ssyncadd.s32 $0xFFFFFFFF  }
0xac: {  	s26 =	simm.s32 $execute0_lowered;
	[smem:$0x3FD2] =	sst s25  }
0xad: {  	s8 =	sshll.u32 s26, $0x1;
	_ =	strace $0x80000049;
	[dreg:$0x1] =	wrdreg $0xFFFFFFFF  }
0xae: {  	s28 =	simm.s32 $_size_execute0_lowered;
	s6 =	sadd.s32 s6, s8;
	[dreg:$0x0] =	wrdreg $0x0  }
0xaf: {  	s8 =	sshll.u32 s28, $0x1;
	[dreg:$0x2] =	wrdreg s6  }
0xb0: {  	[dreg:$0x3] =	wrdreg s8  }
0xb1: {  	[dreg:$0x4] =	wrdreg $0xC0  }
0xb2: {  	_ =	task [dreg:s10], $0x5FFFF  }
0xb3: {  	[dreg:$0x1] =	wrdreg $0xFFFFFFFF  }
0xb4: {  	[dreg:$0x0] =	wrdreg $0x60  }
0xb5: {  	[dreg:$0x2] =	wrdreg s24  }
0xb6: {  	[dreg:$0x3] =	wrdreg s15  }
0xb7: {  	[dreg:$0x4] =	wrdreg s4  }
0xb8: {  	[dreg:$0x5] =	wrdreg s16  }
0xb9: {  	[dreg:$0x6] =	wrdreg s17  }
0xba: {  	[dreg:$0x7] =	wrdreg $0x9  }
0xbb: {  	_ =	task.clear_ibuf [dreg:s10], $0x8FFFF;
	_ =	strace $0x90000049  }
0xbc: {  	s29 =	simm.s32 $0x9;
	_ =	strace $0x8000004B  }
0xbd: {  	_ =	swait.ge [sflag:s29], $0x1  }
0xbe: {  	[sflag:s29] =	ssyncadd.s32 $0xFFFFFFFF  }
0xbf: {  	_ =	strace $0x9000004B  }
0xc0: {  	_ =	sfence  }
0xc1: {  	s30 =	sld [smem:$0x0];
	_ =	sdelay $0x2  }
0xc2: {  	s31 =	sshll.u32 s1, $0xD;
	s1 =	sshrl.u32 s1, $0x2  }
0xc3: {  	s3 =	sand.u32 $0x4000, s31;
	s1 =	sadd.s32 s1, s30  }
0xc4: {  	s0 =	sor.u32 s3, s0;
	s1 =	sshll.u32 s1, $0x11  }
0xc5: {  	s0 =	sor.u32 s1, s0  }
0xc6: {  	s0 =	sadd.s32 $0x8F2B, s0  }
0xc7: {  	[sflag:s0] =	ssyncadd.remote.s32 $0x1  }
0xc8: {  	_ =	sfence.sel $0xFFFF  }
0xc9: {  	[dreg:$0x0] =	wrdreg $0xFFFFFFFF;
	(pc) =	sbr.abs _section_cstart, $3  }
0xca: {  	[dreg:$0x1] =	wrdreg $0xFFFFFFFF  }
0xcb: {  	_ =	task.clear_ibuf [dreg:s10], $0x2FFFF;
	_ =	strace $0x9FFFFFFF  }
0xcc: {  	(tm) =	ssettm $0x7FFFFFFF  }
0xcd: {  	_ =	shalt  }
tec
execute0_lowered:
.L_overlay_start_1:
0x0: {  	(tag) =	ssettag $0x1  }
0x1: {  	s6 =	rddreg [dreg:$0x0]  }
0x2: {  	s1 =	rddreg [dreg:$0x1]  }
0x3: {  	s2 =	rddreg [dreg:$0x2]  }
0x4: {  	s3 =	rddreg [dreg:$0x3]  }
0x5: {  	s4 =	rddreg [dreg:$0x4]  }
0x6: {  	s0 =	rddreg [dreg:$0x5];
	s5 =	simm.s32 $0x0  }
0x7: {  	s7 =	srdreg.scid;
	s13 =	simm.s32 $0x80;
	s14 =	simm.s32 $0x1  }
0x8: {  	s15 =	simm.s32 $0x880;
	s16 =	simm.s32 $0x1080;
	s17 =	simm.s32 $0x1100  }
0x9: {  	s18 =	simm.s32 $0x0;
	[smem:$0x7FF] =	sst s5;
	s10 =	sand.u32 $0x1, s7  }
0xa: {  	s7 =	sadd.s32 $0x34200, s6;
	s8 =	sadd.s32 $0x3400, s6;
	s6 =	stileid.u32  }
0xb: {  	_ =	strace $0x8000004A;
	s9 =	ssub.s32 $0x2, s10;
	p0 =	slt.u32 s6, $0xA  }
0xc: {  	s12 =	sshll.u32 s6, $0x8;
	s10 =	sshll.u32 s10, $0x7;
	s11 =	sshrl.u32 s9, $0x1  }
0xd: {  	v0 =	vlaneseq.u32;
	s10 =	sor.u32 s10, s12;
	s11 =	ssub.s32 s9, s11;
	s9 =	simm.s32 $0x187  }
0xe: {  	v0 =	vmul.u32 $0x10, v0;
	s12 =	simm.s32 $0x2;
	s9 =	simm.s32 @!p0 $0x186;
	s11 =	smax.u32 s11, $0x1  }
.LBB2_1:
0xf: {  	s19 =	simm.s32 $0x0  }
.LBB2_2:
0x10: {  	s20 =	sshll.u32 s19, $0xC  }
0x11: {  	s20 =	sor.u32 s10, s20  }
0x12: {  	s20 =	sshrl.u32 s20, $0x3  }
0x13: {  	s22 =	simm.s32 $0x0;
	s21 =	sadd.s32 s1, s20  }
0x14: {  	[tilespmem:s22], [sflag:$0x2] =	stream.linear.gather [hbm4b:s21+s22], $0x80, $0x38;
	[tilespmem:$0x1180] =	vst v63  }
0x15: {  	_ =	swait.ge [sflag:s12], $0x80  }
0x16: {  	[sflag:s12] =	ssyncset.done $0x0  }
0x17: {  	[sflag:s12] =	ssyncadd.s32 $0xFFFFFF80  }
0x18: {  	[tilespmem:s13], [sflag:$0x1] =	stream.indirect.gather [hbm4b:s7+s13], $0x10, s22, s13, $0xb8;
	[tilespmem:$0x1180] =	vst v63  }
0x19: {  	_ =	swait.ge [sflag:s14], $0x800  }
0x1a: {  	[sflag:s14] =	ssyncset.done $0x0  }
0x1b: {  	s30 =	sadd.s32 s2, s20;
	[sflag:s14] =	ssyncadd.s32 $0xFFFFF800  }
0x1c: {  	[tilespmem:s22], [sflag:$0x2] =	stream.linear.gather [hbm4b:s30+s22], $0x80, $0x38;
	[tilespmem:$0x1180] =	vst v63  }
0x1d: {  	v1 =	vmov s22;
	_ =	swait.ge [sflag:s12], $0x80  }
0x1e: {  	v1 =	vshll.u32 v1, $0x4;
	[sflag:s12] =	ssyncset.done $0x0  }
0x1f: {  	v1 =	vor.u32 v0, v1;
	[sflag:s12] =	ssyncadd.s32 $0xFFFFFF80  }
0x20: {  	[tilespmem:s15], [sflag:$0x1] =	stream.indirect.gather [hbm4b:s8+s13], $0x10, s22, s13, $0xb8;
	[tilespmem:$0x1180] =	vst v63  }
0x21: {  	_ =	swait.ge [sflag:s14], $0x800  }
0x22: {  	[sflag:s14] =	ssyncset.done $0x0  }
0x23: {  	[sflag:s14] =	ssyncadd.s32 $0xFFFFF800  }
0x24: {  	v2 =	vld.idx.msk [tilespmem:v1+s15+$0x0], $0xffff  }
0x25: {  	v3 =	vld.idx.msk [tilespmem:v1+s13+$0x0], $0xffff;
	_ =	sdelay $0x4  }
0x26: {  	v2 =	vadd.f32 v2, v3;
	_ =	sdelay $0x1  }
0x27: {  	v1 =	vor.u32 $0x1, v1;
	v3 =	vadd.f32 v2, v2;
	_ =	sdelay $0x1  }
0x28: {  	v3 =	vmin.f32 v3, $3.000000000e+01  }
0x29: {  	v3 =	vmul.f32 $1.442695020e+00, v3;
	_ =	sdelay $0x1  }
0x2a: {  	v4 =	vld.idx.msk [tilespmem:v1+s15+$0x0], $0xffff;
	(erf) = vpow2.f32 v3  }
0x2b: {  	v1 =	vld.idx.msk [tilespmem:v1+s13+$0x0], $0xffff;
	_ =	sdelay $0x4  }
0x2c: {  	v1 =	vadd.f32 v4, v1;
	_ =	sdelay $0x1  }
0x2d: {  	v3 =	vadd.f32 v1, v1  }
0x2e: {  	v4 =	vpop (erf)  }
0x2f: {  	v3 =	vmin.f32 v3, $3.000000000e+01;
	v5 =	vadd.f32 $1.000000000e+00, v4  }
0x30: {  	v3 =	vmul.f32 $1.442695020e+00, v3  }
0x31: {  	(erf) = vrcp.f32 v5  }
0x32: {  	(erf) = vpow2.f32 v3;
	v3 =	vmul.f32 v2, v2;
	_ =	sdelay $0x1  }
0x33: {  	v5 =	vmul.f32 $3.333333430e-01, v3  }
0x34: {  	v3 =	vmul.f32 v3, v3  }
0x35: {  	v5 =	vsub.f32 $1.000000000e+00, v5  }
0x36: {  	v3 =	vmul.f32 $1.333333400e-01, v3;
	_ =	sdelay $0x1  }
0x37: {  	v4 =	vadd.f32 $-1.000000000e+00, v4;
	v3 =	vadd.f32 v3, v5  }
0x38: {  	v5 =	vpop (erf)  }
0x39: {  	v3 =	vmul.f32 v3, v2;
	v2 =	vand.u32 $0x7FFFFFFF, v2;
	v4 =	vmul.f32 v5, v4;
	v5 =	vpop (erf)  }
0x3a: {  	vm0 =	vlt.f32 v2, $2.500000000e-01;
	v2 =	vadd.f32 $1.000000000e+00, v5  }
0x3b: {  	v3 =	vsel vm0, v3, v4  }
0x3c: {  	v3 =	vmul.f32 $1.200000000e+01, v3;
	(erf) = vrcp.f32 v2  }
0x3d: {  	v2 =	vmul.f32 v1, v1  }
0x3e: {  	v3 =	vmul.f32 $1.442695020e+00, v3  }
0x3f: {  	v4 =	vmul.f32 $3.333333430e-01, v2;
	v2 =	vmul.f32 v2, v2  }
0x40: {  	(erf) = vpow2.f32 v3  }
0x41: {  	s31 =	simm.s32 $0x10;
	v3 =	vsub.f32 $1.000000000e+00, v4;
	v2 =	vmul.f32 $1.333333400e-01, v2  }
0x42: {  	v4 =	vmov s31  }
0x43: {  	v2 =	vadd.f32 v2, v3  }
0x44: {  	v5 =	vadd.f32 $-1.000000000e+00, v5  }
0x45: {  	v3 =	vshll.u32 v4, $0x4;
	v2 =	vmul.f32 v2, v1;
	v4 =	vpop (erf)  }
0x46: {  	v1 =	vand.u32 $0x7FFFFFFF, v1;
	v4 =	vmul.f32 v4, v5  }
0x47: {  	v3 =	vor.u32 v0, v3;
	vm0 =	vlt.f32 v1, $2.500000000e-01  }
0x48: {  	v1 =	vsel vm0, v2, v4  }
0x49: {  	s21 =	simm.s32 $0x1080;
	v1 =	vmul.f32 $4.000000000e+00, v1;
	v2 =	vpop (erf)  }
0x4a: {  	s22 =	simm.s32 $0x1100;
	[tilespmem:s21+$0x0] =	vst v2  }
0x4b: {  	[tilespmem:s22+$0x0] =	vst v1  }
0x4c: {  	v1 =	vld.idx.msk [tilespmem:v3+s15+$0x0], $0xffff  }
0x4d: {  	v2 =	vld.idx.msk [tilespmem:v3+s13+$0x0], $0xffff;
	_ =	sdelay $0x4  }
0x4e: {  	v1 =	vadd.f32 v1, v2;
	_ =	sdelay $0x1  }
0x4f: {  	v2 =	vor.u32 $0x1, v3;
	v3 =	vadd.f32 v1, v1;
	_ =	sdelay $0x1  }
0x50: {  	v3 =	vmin.f32 v3, $3.000000000e+01  }
0x51: {  	v3 =	vmul.f32 $1.442695020e+00, v3;
	_ =	sdelay $0x1  }
0x52: {  	v4 =	vld.idx.msk [tilespmem:v2+s15+$0x0], $0xffff;
	(erf) = vpow2.f32 v3  }
0x53: {  	v2 =	vld.idx.msk [tilespmem:v2+s13+$0x0], $0xffff;
	_ =	sdelay $0x4  }
0x54: {  	v3 =	vadd.f32 v4, v2;
	_ =	sdelay $0x1  }
0x55: {  	v2 =	vadd.f32 v3, v3  }
0x56: {  	v4 =	vpop (erf)  }
0x57: {  	v2 =	vmin.f32 v2, $3.000000000e+01;
	v5 =	vadd.f32 $1.000000000e+00, v4  }
0x58: {  	v2 =	vmul.f32 $1.442695020e+00, v2  }
0x59: {  	(erf) = vrcp.f32 v5  }
0x5a: {  	(erf) = vpow2.f32 v2  }
0x5b: {  	v2 =	vmul.f32 v1, v1;
	_ =	sdelay $0x1  }
0x5c: {  	v5 =	vmul.f32 $3.333333430e-01, v2;
	v2 =	vmul.f32 v2, v2;
	_ =	sdelay $0x1  }
0x5d: {  	v5 =	vsub.f32 $1.000000000e+00, v5;
	v2 =	vmul.f32 $1.333333400e-01, v2;
	_ =	sdelay $0x1  }
0x5e: {  	v4 =	vadd.f32 $-1.000000000e+00, v4;
	v2 =	vadd.f32 v2, v5  }
0x5f: {  	v6 =	vpop (erf)  }
0x60: {  	v2 =	vmul.f32 v2, v1;
	v1 =	vand.u32 $0x7FFFFFFF, v1;
	v7 =	vpop (erf);
	v4 =	vmul.f32 v6, v4  }
0x61: {  	vm0 =	vlt.f32 v1, $2.500000000e-01;
	v8 =	vadd.f32 $1.000000000e+00, v7  }
0x62: {  	v1 =	vsel vm0, v2, v4  }
0x63: {  	(erf) = vrcp.f32 v8;
	v1 =	vmul.f32 $1.200000000e+01, v1  }
0x64: {  	v2 =	vmul.f32 v3, v3  }
0x65: {  	v1 =	vmul.f32 $1.442695020e+00, v1  }
0x66: {  	v4 =	vmul.f32 $3.333333430e-01, v2;
	v2 =	vmul.f32 v2, v2  }
0x67: {  	(erf) = vpow2.f32 v1  }
0x68: {  	v2 =	vmul.f32 $1.333333400e-01, v2  }
0x69: {  	v4 =	vsub.f32 $1.000000000e+00, v4  }
0x6a: {  	s23 =	simm.s32 $0x20  }
0x6b: {  	v5 =	vadd.f32 $-1.000000000e+00, v7;
	v1 =	vmov s23;
	v4 =	vadd.f32 v2, v4  }
0x6c: {  	v1 =	vshll.u32 v1, $0x4;
	v2 =	vpop (erf)  }
0x6d: {  	v2 =	vmul.f32 v2, v5;
	v5 =	vand.u32 $0x7FFFFFFF, v3;
	v3 =	vmul.f32 v4, v3  }
0x6e: {  	s23 =	simm.s32 $0x30;
	v1 =	vor.u32 v0, v1;
	vm0 =	vlt.f32 v5, $2.500000000e-01  }
.LBB2_3:
0x6f: {  	p0 =	sne.s32 s23, $0x70;
	v2 =	vsel vm0, v3, v2  }
0x70: {  	s21 =	sadd.s32 $0x10, s21;
	v2 =	vmul.f32 $4.000000000e+00, v2;
	v3 =	vpop (erf)  }
0x71: {  	s22 =	sadd.s32 $0x10, s22;
	[tilespmem:s21+$0x0] =	vst v3  }
0x72: {  	[tilespmem:s22+$0x0] =	vst v2  }
0x73: {  	v2 =	vld.idx.msk [tilespmem:v1+s15+$0x0], $0xffff  }
0x74: {  	v3 =	vld.idx.msk [tilespmem:v1+s13+$0x0], $0xffff;
	_ =	sdelay $0x5  }
0x75: {  	v2 =	vadd.f32 v2, v3  }
0x76: {  	v1 =	vor.u32 $0x1, v1  }
0x77: {  	v3 =	vadd.f32 v2, v2;
	_ =	sdelay $0x1  }
0x78: {  	v3 =	vmin.f32 v3, $3.000000000e+01  }
0x79: {  	v3 =	vmul.f32 $1.442695020e+00, v3  }
0x7a: {  	v4 =	vld.idx.msk [tilespmem:v1+s15+$0x0], $0xffff  }
0x7b: {  	v1 =	vld.idx.msk [tilespmem:v1+s13+$0x0], $0xffff;
	(erf) = vpow2.f32 v3;
	_ =	sdelay $0x5  }
0x7c: {  	v1 =	vadd.f32 v4, v1;
	_ =	sdelay $0x1  }
0x7d: {  	v3 =	vadd.f32 v1, v1  }
0x7e: {  	v4 =	vpop (erf)  }
0x7f: {  	v3 =	vmin.f32 v3, $3.000000000e+01;
	v5 =	vadd.f32 $1.000000000e+00, v4  }
0x80: {  	v3 =	vmul.f32 $1.442695020e+00, v3  }
0x81: {  	(erf) = vrcp.f32 v5  }
0x82: {  	(erf) = vpow2.f32 v3  }
0x83: {  	v3 =	vmul.f32 v2, v2;
	_ =	sdelay $0x1  }
0x84: {  	v5 =	vmul.f32 $3.333333430e-01, v3;
	v3 =	vmul.f32 v3, v3;
	_ =	sdelay $0x1  }
0x85: {  	v6 =	vsub.f32 $1.000000000e+00, v5;
	v3 =	vmul.f32 $1.333333400e-01, v3;
	_ =	sdelay $0x1  }
0x86: {  	v4 =	vadd.f32 $-1.000000000e+00, v4;
	v3 =	vadd.f32 v3, v6  }
0x87: {  	v5 =	vpop (erf)  }
0x88: {  	v3 =	vmul.f32 v3, v2;
	v2 =	vand.u32 $0x7FFFFFFF, v2;
	v4 =	vmul.f32 v5, v4;
	v5 =	vpop (erf)  }
0x89: {  	vm0 =	vlt.f32 v2, $2.500000000e-01;
	v2 =	vadd.f32 $1.000000000e+00, v5  }
0x8a: {  	v3 =	vsel vm0, v3, v4  }
0x8b: {  	v3 =	vmul.f32 $1.200000000e+01, v3;
	(erf) = vrcp.f32 v2  }
0x8c: {  	v2 =	vmul.f32 v1, v1  }
0x8d: {  	v3 =	vmul.f32 $1.442695020e+00, v3  }
0x8e: {  	v4 =	vmul.f32 $3.333333430e-01, v2  }
0x8f: {  	v2 =	vmul.f32 v2, v2;
	(erf) = vpow2.f32 v3;
	_ =	sdelay $0x1  }
0x90: {  	v3 =	vsub.f32 $1.000000000e+00, v4;
	v6 =	vmul.f32 $1.333333400e-01, v2  }
.Ltmp0:
0x91: {  	(pc) =	sbr.rel @p0 .LBB2_3-.Ltmp0, $4  }
0x92: {  	v5 =	vadd.f32 $-1.000000000e+00, v5;
	v4 =	vmov s23;
	v3 =	vadd.f32 v6, v3  }
0x93: {  	v4 =	vshll.u32 v4, $0x4;
	v2 =	vpop (erf)  }
0x94: {  	v3 =	vmul.f32 v3, v1;
	v2 =	vmul.f32 v2, v5;
	v5 =	vand.u32 $0x7FFFFFFF, v1  }
0x95: {  	s23 =	sadd.s32 $0x10, s23;
	v1 =	vor.u32 v0, v4;
	vm0 =	vlt.f32 v5, $2.500000000e-01  }
0x96: {  	v2 =	vsel vm0, v3, v2  }
0x97: {  	s21 =	sadd.s32 $0x10, s21;
	v2 =	vmul.f32 $4.000000000e+00, v2;
	v3 =	vpop (erf)  }
0x98: {  	s22 =	sadd.s32 $0x10, s22;
	[tilespmem:s21+$0x0] =	vst v3  }
0x99: {  	[tilespmem:s22+$0x0] =	vst v2  }
0x9a: {  	v2 =	vld.idx.msk [tilespmem:v1+s15+$0x0], $0xffff  }
0x9b: {  	v3 =	vld.idx.msk [tilespmem:v1+s13+$0x0], $0xffff;
	_ =	sdelay $0x4  }
0x9c: {  	v2 =	vadd.f32 v2, v3;
	_ =	sdelay $0x1  }
0x9d: {  	v1 =	vor.u32 $0x1, v1;
	v3 =	vadd.f32 v2, v2;
	_ =	sdelay $0x1  }
0x9e: {  	v3 =	vmin.f32 v3, $3.000000000e+01  }
0x9f: {  	v3 =	vmul.f32 $1.442695020e+00, v3;
	_ =	sdelay $0x1  }
0xa0: {  	v4 =	vld.idx.msk [tilespmem:v1+s15+$0x0], $0xffff;
	(erf) = vpow2.f32 v3  }
0xa1: {  	v1 =	vld.idx.msk [tilespmem:v1+s13+$0x0], $0xffff;
	_ =	sdelay $0x4  }
0xa2: {  	v1 =	vadd.f32 v4, v1;
	_ =	sdelay $0x1  }
0xa3: {  	v3 =	vadd.f32 v1, v1  }
0xa4: {  	v58 =	vpop (erf)  }
0xa5: {  	v3 =	vmin.f32 v3, $3.000000000e+01;
	v5 =	vadd.f32 $1.000000000e+00, v58  }
0xa6: {  	v3 =	vmul.f32 $1.442695020e+00, v3  }
0xa7: {  	(erf) = vrcp.f32 v5  }
0xa8: {  	(erf) = vpow2.f32 v3  }
0xa9: {  	v3 =	vmul.f32 v2, v2;
	_ =	sdelay $0x1  }
0xaa: {  	v59 =	vmul.f32 $3.333333430e-01, v3;
	v3 =	vmul.f32 v3, v3;
	_ =	sdelay $0x1  }
0xab: {  	v5 =	vsub.f32 $1.000000000e+00, v59;
	v3 =	vmul.f32 $1.333333400e-01, v3;
	_ =	sdelay $0x1  }
0xac: {  	v4 =	vadd.f32 $-1.000000000e+00, v58;
	v3 =	vadd.f32 v3, v5  }
0xad: {  	v60 =	vpop (erf)  }
0xae: {  	v3 =	vmul.f32 v3, v2;
	v2 =	vand.u32 $0x7FFFFFFF, v2;
	v4 =	vmul.f32 v60, v4;
	v61 =	vpop (erf)  }
0xaf: {  	vm14 =	vlt.f32 v2, $2.500000000e-01;
	v2 =	vadd.f32 $1.000000000e+00, v61  }
0xb0: {  	v3 =	vsel vm14, v3, v4  }
0xb1: {  	v3 =	vmul.f32 $1.200000000e+01, v3;
	(erf) = vrcp.f32 v2  }
0xb2: {  	v2 =	vmul.f32 v1, v1  }
0xb3: {  	v3 =	vmul.f32 $1.442695020e+00, v3  }
0xb4: {  	v62 =	vmul.f32 $3.333333430e-01, v2;
	v2 =	vmul.f32 v2, v2  }
0xb5: {  	(erf) = vpow2.f32 v3  }
0xb6: {  	v3 =	vsub.f32 $1.000000000e+00, v62;
	v2 =	vmul.f32 $1.333333400e-01, v2;
	_ =	sdelay $0x1  }
0xb7: {  	v2 =	vadd.f32 v2, v3  }
0xb8: {  	v63 =	vadd.f32 $-1.000000000e+00, v61  }
0xb9: {  	v2 =	vmul.f32 v2, v1;
	v3 =	vpop (erf)  }
0xba: {  	v1 =	vand.u32 $0x7FFFFFFF, v1;
	v3 =	vmul.f32 v3, v63  }
0xbb: {  	vm15 =	vlt.f32 v1, $2.500000000e-01  }
0xbc: {  	v1 =	vsel vm15, v2, v3  }
0xbd: {  	s21 =	sadd.s32 $0x10, s21;
	v1 =	vmul.f32 $4.000000000e+00, v1;
	v2 =	vpop (erf)  }
0xbe: {  	s29 =	sadd.s32 $0x10, s22;
	[tilespmem:s21+$0x0] =	vst v2  }
0xbf: {  	s30 =	sadd.s32 s3, s20;
	[tilespmem:s29+$0x0] =	vst v1  }
0xc0: {  	[hbm4b:s30+s5] =	stream.linear.scatter [tilespmem:s16], [sflag:$0x2], $0x80, $0x38;
	[tilespmem:$0x1180] =	vst v63  }
0xc1: {  	s19 =	sadd.s32 $0x1, s19;
	_ =	swait.ge [sflag:s12], $0x80  }
0xc2: {  	p0 =	sne.s32 s19, s9;
	[sflag:s12] =	ssyncset.done $0x0  }
.Ltmp1:
0xc3: {  	s31 =	sadd.s32 s4, s20;
	[sflag:s12] =	ssyncadd.s32 $0xFFFFFF80;
	(pc) =	sbr.rel @p0 .LBB2_2-.Ltmp1, $4  }
0xc4: {  	[hbm4b:s31+s5] =	stream.linear.scatter [tilespmem:s17], [sflag:$0x2], $0x80, $0x38;
	[tilespmem:$0x1180] =	vst v63  }
0xc5: {  	_ =	swait.ge [sflag:s12], $0x80  }
0xc6: {  	[sflag:s12] =	ssyncset.done $0x0  }
0xc7: {  	[sflag:s12] =	ssyncadd.s32 $0xFFFFFF80  }
0xc8: {  	s18 =	sadd.s32 $0x1, s18  }
0xc9: {  	p0 =	sne.s32 s18, s11  }
.Ltmp2:
0xca: {  	_ = 	snop;
	(pc) =	sbr.rel @p0 .LBB2_1-.Ltmp2, $1  }
0xcb: {  	_ =	sdelay $0x3  }
0xcc: {  	_ =	sfence.sel $0x180000  }
0xcd: {  	[bflag:$0x0] =	sbarrier.arrive $0xFFFF  }
0xce: {  	p0 =	sne.s32 s6, $0x0;
	_ =	strace $0x9000004A  }
0xcf: {  	s0 =	sadd.s32 @!p0 $0x100000, s0;
	[bflag:$0x2] =	sbarrier.arrive $0xFFFF  }
0xd0: {  	[sflag:s0] =	ssyncadd.tile.s32 @!p0 $0x1;
	_ =	shalt  }
.Lfunc_end2:
_tile_overlayer_lowered:
.L_overlay_start_2:
0xd1: {  	(tag) =	ssettag $0x2  }
0xd2: {  	s0 =	rddreg [dreg:$0x0];
	s2 =	stileid.u32  }
0xd3: {  	s1 =	rddreg [dreg:$0x1];
	p0 =	sne.s32 s2, $0x0  }
0xd4: {  	s3 =	rddreg [dreg:$0x2];
	[bflag:$0x3] =	sbarrier.arrive $0xFFFF;
	s2 =	simm.s32 @!p0 $0x1C02  }
0xd5: {  	[timem:s3], [sflag:s2] =	dma.local @!p0 [hbm:s0], s1  }
0xd6: {  	s0 =	simm.s32 @!p0 $0x2  }
0xd7: {  	_ =	swait.ge @!p0 [sflag:s0], s1  }
0xd8: {  	s1 =	ssub.s32 @!p0 $0x0, s1;
	[sflag:s0] =	ssyncset.done @!p0 $0x0  }
0xd9: {  	[sflag:s0] =	ssyncadd.s32 @!p0 s1  }
0xda: {  	[bflag:$0x3] =	sbarrier.arrive $0xFFFF  }
0xdb: {  	_ =	shalt  }

// kernel: kernel.7.cloned.1.call-start
scs
__scs_entry_jumppad:
0x0: {  	(pc) =	sbr.rel $0x88, $3  }
0x1: {  	(tag) =	ssettag $0x0;
	lr =	simm.s32 $0x1  }
0x2: {  	[smem:$0x3F8B] =	sst lr;
	_ =	strace $0xD0000000  }
0x3: {  	_ = 	snop  }
0x4: {  	_ = 	snop  }
0x5: {  	_ = 	snop  }
0x6: {  	_ = 	snop  }
0x7: {  	_ = 	snop  }
__scs_overlays_trampoline_lowered:
0x8: {  	[smem:$0x3F9A] =	sst s0  }
0x9: {  	[smem:$0x3F9B] =	sst s1  }
0xa: {  	[smem:$0x3F9C] =	sst s2  }
0xb: {  	[smem:$0x3F9D] =	sst s3  }
0xc: {  	[smem:$0x3F9E] =	sst s4  }
0xd: {  	[smem:$0x3F9F] =	sst s5  }
0xe: {  	[smem:$0x3FA0] =	sst s6  }
0xf: {  	[smem:$0x3FA1] =	sst s7  }
0x10: {  	[smem:$0x3FA2] =	sst s8  }
0x11: {  	[smem:$0x3FA3] =	sst s9;
	s0 =	simm.s32 @!p0 $0x0  }
0x12: {  	s1 =	sld [smem:$0x3F89];
	s0 =	simm.s32 @p0 $0x1  }
0x13: {  	[smem:$0x3FA4] =	sst s0;
	s0 =	simm.s32 @!p1 $0x0  }
0x14: {  	s2 =	sld [smem:$0x3F88];
	s0 =	simm.s32 @p1 $0x1  }
0x15: {  	[smem:$0x3FA5] =	sst s0;
	s0 =	simm.s32 @!p2 $0x0  }
0x16: {  	s3 =	sld [smem:$0x3FDB];
	s0 =	simm.s32 @p2 $0x1  }
0x17: {  	s4 =	simm.s32 $0x1BF5;
	[smem:$0x3FA7] =	sst s0  }
0x18: {  	s0 =	sld [smem:$0x3F8A];
	_ =	swait.ge [sflag:s4], $0x0  }
0x19: {  	s7 =	sld [smem:$0x3F8B]  }
0x1a: {  	s8 =	sadd.s32 $0xFFFFE003, lr  }
0x1b: {  	s9 =	sadd.s32 $0xFFFFFEF7, lr;
	s5 =	simm.s32 $0xFFFFFFFF;
	p2 =	slt.u32 s8, $0xFFFFF086  }
0x1c: {  	p1 =	slt.u32 s9, $0xF7A;
	s5 =	simm.s32 @!p2 $0x0  }
0x1d: {  	s5 =	simm.s32 @p1 $0x1;
	p0 =	seq.s32 s7, s2  }
0x1e: {  	s7 =	smul.u32 @!p0 $0xF7A, s2;
	p2 =	seq.s32 @!p0 s5, $0x0  }
0x1f: {  	s9 =	smul.u32 $0xF7A, s1;
	s8 =	simm.s32 @!p0 $0x1BF5;
	p2 =	por !p2, p0  }
0x20: {  	[sflag:s8] =	ssyncset.s32 @!p0 $0xFFFFF086;
	s6 =	sadd.s32 @!p0 s3, s7;
	s7 =	simm.s32 @!p0 $0x108  }
0x21: {  	s3 =	sadd.s32 s3, s9;
	s6 =	sadd.s32 @!p0 $0x88, s6;
	s7 =	simm.s32 @p2 $0x1082  }
0x22: {  	[simem:s7], [sflag:s8] =	dma.local @!p0 [hbm:s6], $0xF7A  }
0x23: {  	s9 =	sor.u32 $0xD0000000, s2;
	s6 =	simm.s32 $0x108;
	_ =	swait.ge @!p0 [sflag:s8], $0x0  }
0x24: {  	s3 =	sadd.s32 $0x88, s3;
	s6 =	simm.s32 @!p1 $0x1082;
	[sflag:s4] =	ssyncset.s32 $0xFFFFF086  }
0x25: {  	[simem:s6], [sflag:s4] =	dma.local [hbm:s3], $0xF7A  }
0x26: {  	[smem:$0x3F8B] =	sst s1;
	(tag) =	ssettag s2;
	_ =	strace s9  }
0x27: {  	s1 =	sld [smem:$0x3F9B]  }
0x28: {  	s2 =	sld [smem:$0x3F9C]  }
0x29: {  	s4 =	sld [smem:$0x3F9E]  }
0x2a: {  	p0 =	seq.s32 s5, $0x0;
	s5 =	sld [smem:$0x3F9F]  }
0x2b: {  	s6 =	sld [smem:$0x3FA0]  }
0x2c: {  	s7 =	sld [smem:$0x3FA1]  }
0x2d: {  	s3 =	simm.s32 $0x108;
	s8 =	sld [smem:$0x3FA2]  }
0x2e: {  	s3 =	simm.s32 @!p0 $0x1082;
	s9 =	sld [smem:$0x3FA3]  }
0x2f: {  	lr =	sadd.s32 s0, s3;
	s0 =	sld [smem:$0x3F9A]  }
0x30: {  	s3 =	sld [smem:$0x3F9D]  }
0x31: {  	[smem:$0x3FA6] =	sst s10  }
0x32: {  	s10 =	sld [smem:$0x3FA4];
	_ =	sdelay $0x3  }
0x33: {  	p0 =	seq.s32 s10, $0x1;
	s10 =	sld [smem:$0x3FA6];
	_ =	sdelay $0x3  }
0x34: {  	[smem:$0x3FA6] =	sst s10  }
0x35: {  	s10 =	sld [smem:$0x3FA5];
	_ =	sdelay $0x3  }
0x36: {  	p1 =	seq.s32 s10, $0x1;
	s10 =	sld [smem:$0x3FA6];
	_ =	sdelay $0x3  }
0x37: {  	[smem:$0x3FA6] =	sst s10  }
0x38: {  	s10 =	sld [smem:$0x3FA7]  }
0x39: {  	_ = 	snop;
	(pc) =	sbr.ind lr, $3  }
0x3a: {  	_ = 	snop  }
0x3b: {  	_ = 	snop  }
0x3c: {  	p2 =	seq.s32 s10, $0x1;
	s10 =	sld [smem:$0x3FA6]  }
0x3d: {  	_ =	shalt  }
0x3e: {  	_ =	shalt  }
0x3f: {  	_ =	shalt  }
0x40: {  	_ =	shalt  }
0x41: {  	_ =	shalt  }
0x42: {  	_ =	shalt  }
0x43: {  	_ =	shalt  }
0x44: {  	_ =	shalt  }
0x45: {  	_ =	shalt  }
0x46: {  	_ =	shalt  }
0x47: {  	_ =	shalt  }
0x48: {  	_ =	shalt  }
0x49: {  	_ =	shalt  }
0x4a: {  	_ =	shalt  }
0x4b: {  	_ =	shalt  }
0x4c: {  	_ =	shalt  }
0x4d: {  	_ =	shalt  }
0x4e: {  	_ =	shalt  }
0x4f: {  	_ =	shalt  }
0x50: {  	_ =	shalt  }
0x51: {  	_ =	shalt  }
0x52: {  	_ =	shalt  }
0x53: {  	_ =	shalt  }
0x54: {  	_ =	shalt  }
0x55: {  	_ =	shalt  }
0x56: {  	_ =	shalt  }
0x57: {  	_ =	shalt  }
0x58: {  	_ =	shalt  }
0x59: {  	_ =	shalt  }
0x5a: {  	_ =	shalt  }
0x5b: {  	_ =	shalt  }
0x5c: {  	_ =	shalt  }
0x5d: {  	_ =	shalt  }
0x5e: {  	_ =	shalt  }
0x5f: {  	_ =	shalt  }
0x60: {  	_ =	shalt  }
0x61: {  	_ =	shalt  }
0x62: {  	_ =	shalt  }
0x63: {  	_ =	shalt  }
0x64: {  	_ =	shalt  }
0x65: {  	_ =	shalt  }
0x66: {  	_ =	shalt  }
0x67: {  	_ =	shalt  }
0x68: {  	_ =	shalt  }
0x69: {  	_ =	shalt  }
0x6a: {  	_ =	shalt  }
0x6b: {  	_ =	shalt  }
0x6c: {  	_ =	shalt  }
0x6d: {  	_ =	shalt  }
0x6e: {  	_ =	shalt  }
0x6f: {  	_ =	shalt  }
0x70: {  	_ =	shalt  }
0x71: {  	_ =	shalt  }
0x72: {  	_ =	shalt  }
0x73: {  	_ =	shalt  }
0x74: {  	_ =	shalt  }
0x75: {  	_ =	shalt  }
0x76: {  	_ =	shalt  }
0x77: {  	_ =	shalt  }
0x78: {  	_ =	shalt  }
0x79: {  	_ =	shalt  }
0x7a: {  	_ =	shalt  }
0x7b: {  	_ =	shalt  }
0x7c: {  	_ =	shalt  }
0x7d: {  	_ =	shalt  }
0x7e: {  	_ =	shalt  }
0x7f: {  	_ =	shalt  }
0x80: {  	_ =	shalt  }
0x81: {  	_ =	shalt  }
0x82: {  	_ =	shalt  }
0x83: {  	_ =	shalt  }
0x84: {  	_ =	shalt  }
0x85: {  	_ =	shalt  }
0x86: {  	_ =	shalt  }
0x87: {  	_ =	shalt  }
.Lfunc_end0:
.L_simem_size_0:
called_computation_lowered:
.L_overlay_start_0:
0x88: {  	s2 =	sld [smem:$0x3FD9]  }
0x89: {  	s3 =	sld [smem:$0x3FFE];
	_ =	sdelay $0x1  }
0x8a: {  	s1 =	srdreg.scid  }
0x8b: {  	s0 =	sand.u32 $0x1, s1  }
0x8c: {  	s14 =	sshll.u32 s0, $0xA;
	s2 =	sadd.s32 s3, s2  }
0x8d: {  	s2 =	sadd.s32 s2, s14  }
0x8e: {  	[smem:$0x3FB2] =	sst s2  }
0x8f: {  	_ = 	snop  }
0x90: {  	s2 =	sld [smem:$0x3FD0];
	_ =	sdelay $0x1  }
0x91: {  	s15 =	sld [smem:$0x3FC7]  }
0x92: {  	s5 =	simm.s32 $0xA;
	s6 =	simm.s32 $0x10;
	s4 =	sld [smem:$0x3FC6]  }
0x93: {  	[smem:s6], [sflag:s5] =	dma.local [hbm:s2], $0x1  }
0x94: {  	_ =	swait.eq [sflag:s5], $0x1  }
0x95: {  	[sflag:s5] =	ssyncset.done $0x0  }
0x96: {  	[sflag:s5] =	ssyncadd.s32 $0xFFFFFFFF  }
0x97: {  	s16 =	sld [smem:$0x11];
	(tm) =	ssettm $0x1  }
0x98: {  	s17 =	sld [smem:$0x3FFB];
	_ =	sdelay $0x3  }
0x99: {  	_ =	strace s17  }
0x9a: {  	s5 =	sld [smem:$0x3FFC];
	_ =	sdelay $0x3  }
0x9b: {  	_ =	strace s5  }
0x9c: {  	s5 =	sld [smem:$0x3FFD];
	_ =	sdelay $0x3  }
0x9d: {  	_ =	strace s5  }
0x9e: {  	_ =	strace $0x8FFFFFFF  }
0x9f: {  	s18 =	sld [smem:$0x3FDB];
	_ =	sdelay $0x1  }
0xa0: {  	s19 =	simm.s32 $_scs_section_size  }
0xa1: {  	s7 =	simm.s32 $_size__tile_overlayer_lowered;
	s8 =	simm.s32 $_tile_overlayer_lowered  }
0xa2: {  	s22 =	simm.s32 $0x1BFF;
	s21 =	sshll.u32 s8, $0x1;
	s5 =	sadd.s32 s19, s18  }
0xa3: {  	s9 =	simm.s32 $0x0;
	s20 =	sshll.u32 s7, $0x1;
	s7 =	sadd.s32 s21, s5  }
0xa4: {  	[timem:s9], [sflag:s22] =	dma.local [hbm:s7], s20  }
0xa5: {  	_ =	swait.ge [sflag:s22], s20  }
0xa6: {  	s6 =	ssub.s32 $0x0, s20;
	[sflag:s22] =	ssyncset.done $0x0  }
0xa7: {  	[sflag:s22] =	ssyncadd.s32 s6;
	_ =	sdelay $0x1  }
0xa8: {  	s23 =	simm.s32 $0x1B8B  }
0xa9: {  	_ =	swait.ge [sflag:s23], $0x1  }
0xaa: {  	[sflag:s23] =	ssyncset.done $0x0  }
0xab: {  	s25 =	simm.s32 $0x1B8E;
	s24 =	sld [smem:$0x3FFE];
	[sflag:s23] =	ssyncadd.s32 $0xFFFFFFFF  }
0xac: {  	s26 =	simm.s32 $execute0_lowered;
	[smem:$0x3FD2] =	sst s25  }
0xad: {  	s7 =	sshll.u32 s26, $0x1;
	_ =	strace $0x80000046;
	[dreg:$0x1] =	wrdreg $0xFFFFFFFF  }
0xae: {  	s28 =	simm.s32 $_size_execute0_lowered;
	s5 =	sadd.s32 s5, s7;
	[dreg:$0x0] =	wrdreg $0x0  }
0xaf: {  	s7 =	sshll.u32 s28, $0x1;
	[dreg:$0x2] =	wrdreg s5  }
0xb0: {  	[dreg:$0x3] =	wrdreg s7  }
0xb1: {  	[dreg:$0x4] =	wrdreg $0xC0  }
0xb2: {  	_ =	task [dreg:s9], $0x5FFFF  }
0xb3: {  	[dreg:$0x1] =	wrdreg $0xFFFFFFFF  }
0xb4: {  	[dreg:$0x0] =	wrdreg $0x60  }
0xb5: {  	[dreg:$0x2] =	wrdreg s24  }
0xb6: {  	[dreg:$0x3] =	wrdreg s15  }
0xb7: {  	[dreg:$0x4] =	wrdreg s4  }
0xb8: {  	[dreg:$0x5] =	wrdreg s16  }
0xb9: {  	[dreg:$0x6] =	wrdreg $0x0  }
0xba: {  	[dreg:$0x7] =	wrdreg $0x9  }
0xbb: {  	_ =	task.clear_ibuf [dreg:s9], $0x8FFFF;
	_ =	strace $0x90000046  }
0xbc: {  	s29 =	simm.s32 $0x9;
	_ =	strace $0x80000048  }
0xbd: {  	_ =	swait.ge [sflag:s29], $0x1  }
0xbe: {  	[sflag:s29] =	ssyncadd.s32 $0xFFFFFFFF  }
0xbf: {  	_ =	strace $0x90000048  }
0xc0: {  	_ =	sfence  }
0xc1: {  	s30 =	sld [smem:$0x0];
	_ =	sdelay $0x2  }
0xc2: {  	s31 =	sshll.u32 s1, $0xD;
	s1 =	sshrl.u32 s1, $0x2  }
0xc3: {  	s3 =	sand.u32 $0x4000, s31;
	s1 =	sadd.s32 s1, s30  }
0xc4: {  	s0 =	sor.u32 s3, s0;
	s1 =	sshll.u32 s1, $0x11  }
0xc5: {  	s0 =	sor.u32 s1, s0  }
0xc6: {  	s0 =	sadd.s32 $0x8F2B, s0  }
0xc7: {  	[sflag:s0] =	ssyncadd.remote.s32 $0x1  }
0xc8: {  	_ =	sfence.sel $0xFFFF  }
0xc9: {  	[dreg:$0x0] =	wrdreg $0xFFFFFFFF;
	(pc) =	sbr.abs _section_cstart, $3  }
0xca: {  	[dreg:$0x1] =	wrdreg $0xFFFFFFFF  }
0xcb: {  	_ =	task.clear_ibuf [dreg:s9], $0x2FFFF;
	_ =	strace $0x9FFFFFFF  }
0xcc: {  	(tm) =	ssettm $0x7FFFFFFF  }
0xcd: {  	_ =	shalt  }
tec
execute0_lowered:
.L_overlay_start_1:
0x0: {  	(tag) =	ssettag $0x1  }
0x1: {  	s9 =	rddreg [dreg:$0x0]  }
0x2: {  	s1 =	rddreg [dreg:$0x1]  }
0x3: {  	s2 =	rddreg [dreg:$0x2]  }
0x4: {  	s3 =	rddreg [dreg:$0x3]  }
0x5: {  	s4 =	rddreg [dreg:$0x4]  }
0x6: {  	s0 =	rddreg [dreg:$0x5];
	s5 =	simm.s32 $0x0;
	s8 =	srdreg.scid  }
0x7: {  	s6 =	stileid.u32;
	s17 =	simm.s32 $0x18700;
	s18 =	simm.s32 $0x80  }
0x8: {  	s19 =	simm.s32 $0x18800;
	s20 =	simm.s32 $0x19800;
	s21 =	simm.s32 $0x18780  }
0x9: {  	s30 =	simm.s32 $0x0;
	[smem:$0x7FF] =	sst s5;
	s7 =	sadd.s32 $0x61DC00, s9  }
0xa: {  	s10 =	sand.u32 $0x1, s8;
	s8 =	sadd.s32 $0x3400, s9;
	s12 =	smul.u32 $0x61C00, s6  }
0xb: {  	s13 =	sadd.s32 $0x67F800, s9;
	s26 =	smul.u32 $0xC38, s6;
	s29 =	sshll.u32 s6, $0x6  }
0xc: {  	p0 =	slt.u32 s6, $0x4;
	_ =	strace $0x80000047;
	s22 =	smul.u32 $0xC350, s10  }
0xd: {  	s11 =	ssub.s32 $0x2, s10;
	s31 =	smul.u32 $0x186A00, s10;
	s9 =	sor.u32 $0x1C02, s29  }
0xe: {  	s10 =	simm.s32 $0x30E;
	s25 =	sshrl.u32 s11, $0x1;
	s28 =	sshrl.u32 s12, $0x2  }
0xf: {  	s10 =	simm.s32 @!p0 $0x30D;
	p0 =	seq.s32 s6, $0xF;
	s14 =	ssub.s32 s11, s25  }
0x10: {  	s24 =	sadd.s32 s28, s4;
	s15 =	sadd.s32 s26, s22;
	s12 =	sshrl.u32 s31, $0x3  }
0x11: {  	s11 =	sshll.u32 s6, $0x7;
	s23 =	sadd.s32 $0xC350, s22;
	v0 =	vmov s22;
	s22 =	simm.s32 $0x1  }
0x12: {  	s15 =	sshll.u32 s15, $0x2;
	s16 =	sadd.s32 s13, s12;
	s14 =	smax.u32 s14, $0x1  }
0x13: {  	v1 =	vmov s23;
	s23 =	sshrl.u32 @p0 s24, $0x3;
	s12 =	sadd.s32 s13, s15;
	s13 =	sadd.s32 $0x2DD20, s16  }
0x14: {  	s15 =	sshrl.u32 s24, $0x3;
	s16 =	simm.s32 $0x2;
	s24 =	sshrl.u32 @!p0 s24, $0x3  }
.LBB2_1:
0x15: {  	[spmem:s15], [sflag:s9] =	dma.local [hbm:s3], $0x30E0  }
0x16: {  	_ =	swait.ge [sflag:s16], $0x30E0  }
0x17: {  	[sflag:s16] =	ssyncset.done $0x0  }
0x18: {  	[sflag:s16] =	ssyncadd.s32 $0xFFFFCF20  }
0x19: {  	s25 =	simm.s32 $0x0;
	[bflag:$0x0] =	sbarrier.arrive $0xFFFF  }
.LBB2_2:
0x1a: {  	s26 =	sshll.u32 s25, $0xB  }
0x1b: {  	s26 =	sor.u32 s11, s26  }
0x1c: {  	s28 =	sshrl.u32 s26, $0x3  }
0x1d: {  	s29 =	sadd.s32 s2, s28  }
0x1e: {  	[tilespmem:s17], [sflag:$0x2] =	stream.linear.gather [hbm4b:s29+s30], $0x80, $0x38;
	[tilespmem:$0x1A800] =	vst v63  }
0x1f: {  	_ =	swait.ge [sflag:s16], $0x80  }
0x20: {  	[sflag:s16] =	ssyncset.done $0x0  }
0x21: {  	s26 =	sshll.u32 s26, $0x2;
	[sflag:s16] =	ssyncadd.s32 $0xFFFFFF80  }
0x22: {  	[tilespmem:s19], [sflag:$0x1] =	stream.indirect.gather [hbm4b:s7+s18], $0x20, s17, s18, $0xb8;
	[tilespmem:$0x1A800] =	vst v63  }
0x23: {  	s26 =	sadd.s32 s8, s26  }
0x24: {  	[tilespmem:s20], [sflag:$0x2] =	stream.linear.gather [hbm4b:s26+s30], $0x1000, $0x38;
	[tilespmem:$0x1A800] =	vst v63  }
0x25: {  	_ =	swait.ge [sflag:s16], $0x1000  }
0x26: {  	[sflag:s16] =	ssyncset.done $0x0  }
0x27: {  	s31 =	sadd.s32 s1, s28;
	[sflag:s16] =	ssyncadd.s32 $0xFFFFF000  }
0x28: {  	[tilespmem:s21], [sflag:$0x2] =	stream.linear.gather [hbm4b:s31+s30], $0x80, $0x38;
	[tilespmem:$0x1A800] =	vst v63  }
0x29: {  	_ =	swait.ge [sflag:s16], $0x80  }
0x2a: {  	[sflag:s16] =	ssyncset.done $0x0  }
0x2b: {  	[sflag:s16] =	ssyncadd.s32 $0xFFFFFF80  }
0x2c: {  	_ =	swait.ge [sflag:s22], $0x1000  }
0x2d: {  	[sflag:s22] =	ssyncset.done $0x0  }
0x2e: {  	s26 =	simm.s32 $0x0;
	[sflag:s22] =	ssyncadd.s32 $0xFFFFF000  }
0x2f: {  	v2 =	vld [tilespmem:s26+$0x19800]  }
0x30: {  	v3 =	vld [tilespmem:s26+$0x19810]  }
0x31: {  	s28 =	simm.s32 $0x80;
	v4 =	vld [tilespmem:s26+$0x18800]  }
.LBB2_3:
0x32: {  	p1 =	sne.s32 s28, $0x3F80;
	v5 =	vld [tilespmem:s26+$0x18810];
	_ =	sdelay $0x2  }
.Ltmp0:
0x33: {  	(pc) =	sbr.rel @p1 .LBB2_3-.Ltmp0, $4  }
0x34: {  	s29 =	sshra.s32 s28, $0x2;
	v4 =	vmul.f32 v2, v4  }
0x35: {  	v2 =	vld [tilespmem:s29+$0x19800];
	v5 =	vmul.f32 v3, v5  }
0x36: {  	v3 =	vld [tilespmem:s29+$0x19810];
	[tilespmem:s26+$0x18800] =	vst v4  }
0x37: {  	s28 =	sadd.s32 $0x80, s28;
	v4 =	vld [tilespmem:s29+$0x18800];
	[tilespmem:s26+$0x18810] =	vst v5;
	s26 =	smov.u32 s29  }
0x38: {  	v5 =	vld [tilespmem:s26+$0x18810];
	_ =	sdelay $0x3  }
0x39: {  	v2 =	vmul.f32 v2, v4  }
0x3a: {  	v3 =	vmul.f32 v3, v5  }
0x3b: {  	[tilespmem:s26+$0x18800] =	vst v2  }
0x3c: {  	[tilespmem:s26+$0x18810] =	vst v3  }
0x3d: {  	v2 =	vld [tilespmem:$0x18780]  }
0x3e: {  	v3 =	vld [tilespmem:$0x18790]  }
0x3f: {  	v62 =	vld [tilespmem:$0x187A0]  }
0x40: {  	v63 =	vld [tilespmem:$0x187B0]  }
0x41: {  	v6 =	vld [tilespmem:$0x187C0]  }
0x42: {  	v7 =	vld [tilespmem:$0x187D0]  }
0x43: {  	v8 =	vld [tilespmem:$0x187E0];
	vm0 =	vge.s32 v2, v0;
	vm1 =	vlt.s32 v2, v1;
	v2 =	vsub.s32 v2, v0  }
0x44: {  	vm12 =	vge.s32 v3, v0;
	vm2 =	vlt.s32 v3, v1;
	v3 =	vsub.s32 v3, v0  }
0x45: {  	vm14 =	vge.s32 v62, v0;
	vm15 =	vlt.s32 v62, v1;
	vm4 =	vge.s32 v63, v0  }
0x46: {  	vm5 =	vlt.s32 v63, v1;
	v4 =	vsub.s32 v62, v0;
	v5 =	vsub.s32 v63, v0  }
0x47: {  	vm6 =	vge.s32 v6, v0;
	vm7 =	vlt.s32 v6, v1;
	vm8 =	vge.s32 v7, v0  }
0x48: {  	v9 =	vld [tilespmem:$0x187F0];
	vm3 =	vlt.s32 v7, v1;
	vm10 =	vge.s32 v8, v0;
	vm0 =	vmand vm0, vm1  }
0x49: {  	vm11 =	vlt.s32 v8, v1;
	vm13 =	vmand vm12, vm2;
	v2 =	vnsel vm0, $0xC350, v2  }
0x4a: {  	vm1 =	vmand vm4, vm5;
	vm9 =	vmand vm8, vm3;
	v3 =	vnsel vm13, $0xC350, v3;
	[tilespmem:$0x18780] =	vst v2  }
0x4b: {  	vm12 =	vmand vm10, vm11;
	vm0 =	vmand vm14, vm15;
	v5 =	vnsel vm1, $0xC350, v5;
	[tilespmem:$0x18790] =	vst v3  }
0x4c: {  	v4 =	vnsel vm0, $0xC350, v4;
	vm0 =	vmand vm6, vm7;
	v2 =	vsub.s32 v6, v0;
	[tilespmem:$0x187B0] =	vst v5  }
0x4d: {  	vm13 =	vge.s32 v9, v0;
	v3 =	vsub.s32 v7, v0;
	[tilespmem:$0x187A0] =	vst v4;
	v2 =	vnsel vm0, $0xC350, v2  }
0x4e: {  	vm14 =	vlt.s32 v9, v1;
	v3 =	vnsel vm9, $0xC350, v3;
	[tilespmem:$0x187C0] =	vst v2;
	v2 =	vsub.s32 v8, v0  }
0x4f: {  	s25 =	sadd.s32 $0x1, s25;
	vm15 =	vmand vm13, vm14;
	[tilespmem:$0x187D0] =	vst v3;
	v3 =	vsub.s32 v9, v0;
	v2 =	vnsel vm12, $0xC350, v2  }
0x50: {  	p1 =	sne.s32 s25, s10;
	[tilespmem:$0x187E0] =	vst v2;
	v2 =	vnsel vm15, $0xC350, v3  }
.Ltmp1:
0x51: {  	[tilespmem:$0x187F0] =	vst v2;
	(pc) =	sbr.rel @p1 .LBB2_2-.Ltmp1, $4  }
0x52: {  	[spmem:s4] =	stream.indirect.scatter.add.f32 [tilespmem:s19], [sflag:$0x2], $0x20, s21, s18, $0xb8;
	[tilespmem:$0x1A800] =	vst v63  }
0x53: {  	_ =	swait.ge [sflag:s16], $0x1000  }
0x54: {  	[sflag:s16] =	ssyncset.done $0x0  }
0x55: {  	[sflag:s16] =	ssyncadd.s32 $0xFFFFF000  }
0x56: {  	[bflag:$0x0] =	sbarrier.arrive $0xFFFF;
	s25 =	simm.s32 @p0 $0x2  }
0x57: {  	[hbm:s13], [sflag:s9] =	dma.local @p0 [spmem:s23], $0x3020  }
0x58: {  	s5 =	sadd.s32 $0x1, s5;
	_ =	swait.ge @p0 [sflag:s25], $0x3020  }
0x59: {  	p1 =	sne.s32 s5, s14;
	[sflag:s25] =	ssyncset.done @p0 $0x0  }
.Ltmp2:
0x5a: {  	[sflag:s25] =	ssyncadd.s32 @p0 $0xFFFFCFE0;
	s25 =	simm.s32 @!p0 $0x2;
	(pc) =	sbr.rel @p1 .LBB2_1-.Ltmp2, $4  }
0x5b: {  	[hbm:s12], [sflag:s9] =	dma.local @!p0 [spmem:s24], $0x30E0  }
0x5c: {  	_ =	swait.ge @!p0 [sflag:s25], $0x30E0  }
0x5d: {  	[sflag:s25] =	ssyncset.done @!p0 $0x0  }
0x5e: {  	[sflag:s25] =	ssyncadd.s32 @!p0 $0xFFFFCF20  }
0x5f: {  	_ =	sfence.sel $0x180000  }
0x60: {  	[bflag:$0x0] =	sbarrier.arrive $0xFFFF  }
0x61: {  	p0 =	sne.s32 s6, $0x0;
	_ =	strace $0x90000047  }
0x62: {  	s0 =	sadd.s32 @!p0 $0x100000, s0;
	[bflag:$0x2] =	sbarrier.arrive $0xFFFF  }
0x63: {  	[sflag:s0] =	ssyncadd.tile.s32 @!p0 $0x1;
	_ =	shalt  }
.Lfunc_end2:
_tile_overlayer_lowered:
.L_overlay_start_2:
0x64: {  	(tag) =	ssettag $0x2  }
0x65: {  	s0 =	rddreg [dreg:$0x0];
	s2 =	stileid.u32  }
0x66: {  	s1 =	rddreg [dreg:$0x1];
	p0 =	sne.s32 s2, $0x0  }
0x67: {  	s3 =	rddreg [dreg:$0x2];
	[bflag:$0x3] =	sbarrier.arrive $0xFFFF;
	s2 =	simm.s32 @!p0 $0x1C02  }
0x68: {  	[timem:s3], [sflag:s2] =	dma.local @!p0 [hbm:s0], s1  }
0x69: {  	s0 =	simm.s32 @!p0 $0x2  }
0x6a: {  	_ =	swait.ge @!p0 [sflag:s0], s1  }
0x6b: {  	s1 =	ssub.s32 @!p0 $0x0, s1;
	[sflag:s0] =	ssyncset.done @!p0 $0x0  }
0x6c: {  	[sflag:s0] =	ssyncadd.s32 @!p0 s1  }
0x6d: {  	[bflag:$0x3] =	sbarrier.arrive $0xFFFF  }
0x6e: {  	_ =	shalt  }

</sc_bundles>
